<compile_context>
chip_gen: v7x
topology: tpu7x:2x2x1
jax: 0.10.2.dev20260603
libtpu: 0.0.44.dev20260713+nightly
codegen_flags: <defaults>
</compile_context>

<pallas_src>
import functools

import jax
import jax.numpy as jnp
from jax import lax
from jax.experimental import pallas as pl
from jax.experimental.pallas import tpu as pltpu
from jax.experimental.pallas import tpu_sc as plsc

N = 10000
E = 320000
D = 128

NC = 2
NS = 16
NW = NC * NS
EPW = E // NW
EPW_PAD = 10240
CB = 80
NCHUNK = EPW_PAD // CB
NP = 10240
RPT = NP // NS


def _sc_aggregate(x, src3, dst3, zeros1, ones):
  mesh = plsc.VectorSubcoreMesh(core_axis_name="c", subcore_axis_name="s")

  @functools.partial(
      pl.kernel,
      out_type=(jax.ShapeDtypeStruct((NC, NP, D), jnp.float32),
                jax.ShapeDtypeStruct((NC, NP, 8), jnp.float32)),
      mesh=mesh,
      compiler_params=pltpu.CompilerParams(use_tc_tiling_on_sc=False,
                                           needs_layout_passes=False),
      scratch_types=[
          pltpu.VMEM((NCHUNK, CB), jnp.int32),
          pltpu.VMEM((NCHUNK, CB), jnp.int32),
          pltpu.VMEM((CB, D), jnp.float32),
          pltpu.VMEM((CB, D), jnp.float32),
          pltpu.VMEM((CB, 8), jnp.float32),
          pltpu.VMEM_SHARED((NP, D), jnp.float32),
          pltpu.VMEM_SHARED((NP, 8), jnp.float32),
          pltpu.SemaphoreType.DMA,
          pltpu.SemaphoreType.DMA,
          pltpu.SemaphoreType.DMA,
      ],
  )
  def agg_kernel(x_hbm, src_hbm, dst_hbm, z1_hbm, o_hbm, acc_hbm, deg_hbm,
                 src_v, dst_v, gbufa, gbufb, ones_v, acc_sh, deg_sh,
                 sema, semb, semd):
    cid = lax.axis_index("c")
    sid = lax.axis_index("s")
    wid = cid * NS + sid

    pltpu.sync_copy(src_hbm.at[wid], src_v)
    pltpu.sync_copy(dst_hbm.at[wid], dst_v)

    z16 = jnp.zeros((16,), jnp.float32)

    @pl.loop(0, CB)
    def _(r):
      for c in range(D // 16):
        gbufa[r, pl.ds(c * 16, 16)] = z16

    for k in range(RPT // CB):
      pltpu.sync_copy(gbufa, acc_sh.at[pl.ds(sid * RPT + k * CB, CB)])

    pltpu.sync_copy(z1_hbm.at[pl.ds(sid * RPT, RPT)],
                    deg_sh.at[pl.ds(sid * RPT, RPT)])
    pltpu.sync_copy(o_hbm, ones_v)
    plsc.subcore_barrier()

    def scatter(gbuf, j):
      pltpu.sync_copy(gbuf, acc_sh.at[dst_v.at[j]], add=True)
      pltpu.async_copy(ones_v, deg_sh.at[dst_v.at[j]], semd, add=True)

    pltpu.async_copy(x_hbm.at[src_v.at[0]], gbufa, sema)

    @pl.loop(0, NCHUNK, step=2)
    def _(j):
      hb = pltpu.async_copy(x_hbm.at[src_v.at[j + 1]], gbufb, semb)
      pltpu.make_async_copy(x_hbm.at[pl.ds(0, CB)], gbufa, sema).wait()
      scatter(gbufa, j)

      @pl.when(j + 2 < NCHUNK)
      def _():
        pltpu.async_copy(x_hbm.at[src_v.at[j + 2]], gbufa, sema)

      hb.wait()
      scatter(gbufb, j + 1)

    @pl.loop(0, NCHUNK)
    def _(j):
      pltpu.make_async_copy(z1_hbm.at[pl.ds(0, CB)], ones_v, semd).wait()

    plsc.subcore_barrier()

    pltpu.sync_copy(acc_sh.at[pl.ds(sid * RPT, RPT)],
                    acc_hbm.at[cid, pl.ds(sid * RPT, RPT)])
    pltpu.sync_copy(deg_sh.at[pl.ds(sid * RPT, RPT)],
                    deg_hbm.at[cid, pl.ds(sid * RPT, RPT)])

  return agg_kernel(x, src3, dst3, zeros1, ones)


def _tc_finish_body(agg_ref, deg_ref, x_ref, wl_ref, bl_ref, wr_ref, out_ref):
  a = agg_ref[0] + agg_ref[1]
  deg = jnp.sum(deg_ref[0] + deg_ref[1], axis=-1, keepdims=True)
  mean = a / jnp.maximum(deg, 1.0)
  out = (
      lax.dot_general(mean, wl_ref[...], (((1,), (1,)), ((), ())),
                      preferred_element_type=jnp.float32)
      + lax.dot_general(x_ref[...], wr_ref[...], (((1,), (1,)), ((), ())),
                        preferred_element_type=jnp.float32)
      + bl_ref[...]
  )
  norm = jnp.sqrt(jnp.sum(out * out, axis=-1, keepdims=True))
  out_ref[...] = out / jnp.maximum(norm, 1e-12)


def _tc_finish(agg2, deg2, x, W_l, b_l2, W_r):
  blk = 2000
  grid = N // blk
  return pl.pallas_call(
      _tc_finish_body,
      grid=(grid,),
      in_specs=[
          pl.BlockSpec((NC, blk, D), lambda i: (0, i, 0)),
          pl.BlockSpec((NC, blk, 8), lambda i: (0, i, 0)),
          pl.BlockSpec((blk, D), lambda i: (i, 0)),
          pl.BlockSpec((D, D), lambda i: (0, 0)),
          pl.BlockSpec((1, D), lambda i: (0, 0)),
          pl.BlockSpec((D, D), lambda i: (0, 0)),
      ],
      out_specs=pl.BlockSpec((blk, D), lambda i: (i, 0)),
      out_shape=jax.ShapeDtypeStruct((N, D), jnp.float32),
  )(agg2, deg2, x, W_l, b_l2, W_r)


@jax.jit
def kernel(x, edge_index, W_l, b_l, W_r):
  pad_src = jnp.broadcast_to(jnp.arange(EPW_PAD - EPW, dtype=jnp.int32),
                             (NW, EPW_PAD - EPW))
  src = jnp.concatenate([edge_index[0].reshape(NW, EPW), pad_src], axis=1)
  pad_dst = jnp.broadcast_to(N + jnp.arange(EPW_PAD - EPW, dtype=jnp.int32),
                             (NW, EPW_PAD - EPW))
  dst = jnp.concatenate([edge_index[1].reshape(NW, EPW), pad_dst], axis=1)
  src3 = src.reshape(NW, NCHUNK, CB)
  dst3 = dst.reshape(NW, NCHUNK, CB)
  zeros1 = jnp.zeros((NP, 8), jnp.float32)
  ones = jnp.zeros((CB, 8), jnp.float32).at[:, 0].set(1.0)
  agg2, deg2 = _sc_aggregate(x, src3, dst3, zeros1, ones)
  return _tc_finish(agg2, deg2, x, W_l, b_l.reshape(1, D), W_r)

# --- scband reference (transcript-rebuilt; emitter-appended) ---
"""Pipeline reference for scband-graph-sagelayer-10892037063139 (READ-ONLY COPY).

The authoritative reference and input builder live on the scoring server;
editing this copy changes nothing except your own understanding.
"""

import jax, jax.numpy as jnp
import numpy as np

N = 10000
E = 320000
D_IN = 128
D_OUT = 128


def setup_inputs(seed: int = 0) -> dict:
    key = jax.random.key(seed)
    k1, k2, k3, k4 = jax.random.split(key, 4)
    x = jax.random.normal(k1, (N, D_IN), dtype=jnp.float32)
    edge_index = jax.random.randint(k2, (2, E), 0, N, dtype=jnp.int32)
    s = 1.0 / np.sqrt(D_IN)
    # PyG SAGEConv params: lin_l (neighbor aggregate, with bias), lin_r (root, no bias)
    W_l = jax.random.uniform(k3, (D_OUT, D_IN), minval=-s, maxval=s, dtype=jnp.float32)
    b_l = jnp.zeros((D_OUT,), dtype=jnp.float32)
    W_r = jax.random.uniform(k4, (D_OUT, D_IN), minval=-s, maxval=s, dtype=jnp.float32)
    return {"x": x, "edge_index": edge_index, "W_l": W_l, "b_l": b_l, "W_r": W_r}


def reference(x, edge_index, W_l, b_l, W_r):
    # SAGEConv with aggr='mean', root_weight=True, normalize=True
    src = edge_index[0]
    dst = edge_index[1]
    msgs = x[src]  # gather source-node features per edge
    agg = jax.ops.segment_sum(msgs, dst, num_segments=N)
    deg = jax.ops.segment_sum(jnp.ones((E,), dtype=x.dtype), dst, num_segments=N)
    agg = agg / jnp.clip(deg, 1.0, None)[:, None]  # mean aggregation
    out = agg @ W_l.T + b_l + x @ W_r.T
    # F.normalize(out, p=2, dim=-1)
    norm = jnp.sqrt(jnp.sum(out * out, axis=-1, keepdims=True))
    out = out / jnp.maximum(norm, 1e-12)
    return out

if __name__ == "__main__":
    import jax
    _d = setup_inputs()
    print(jax.jit(kernel)(*tuple(_d.values())))

</pallas_src>

<mosaic_0001>
#map = affine_map<(d0, d1) -> (0, 0)>
#map1 = affine_map<(d0, d1) -> (0, 0, 0)>
module attributes {stable_mosaic.version = 14 : i64} {
  func.func @agg_kernel(%arg0: i32, %arg1: i32, %arg2: memref<10000x128xf32, #tpu.memory_space<hbm>>, %arg3: memref<32x128x80xi32, #tpu.memory_space<hbm>>, %arg4: memref<32x128x80xi32, #tpu.memory_space<hbm>>, %arg5: memref<10240x8xf32, #tpu.memory_space<hbm>>, %arg6: memref<80x8xf32, #tpu.memory_space<hbm>>, %arg7: memref<2x10240x128xf32, #tpu.memory_space<hbm>>, %arg8: memref<2x10240x8xf32, #tpu.memory_space<hbm>>, %arg9: memref<128x80xi32, #tpu.memory_space<vmem>>, %arg10: memref<128x80xi32, #tpu.memory_space<vmem>>, %arg11: memref<80x128xf32, #tpu.memory_space<vmem>>, %arg12: memref<80x128xf32, #tpu.memory_space<vmem>>, %arg13: memref<80x8xf32, #tpu.memory_space<vmem>>, %arg14: memref<10240x128xf32, #tpu.memory_space<vmem_shared>>, %arg15: memref<10240x8xf32, #tpu.memory_space<vmem_shared>>, %arg16: memref<!tpu.dma_semaphore, #tpu.memory_space<semaphore_mem>>, %arg17: memref<!tpu.dma_semaphore, #tpu.memory_space<semaphore_mem>>, %arg18: memref<!tpu.dma_semaphore, #tpu.memory_space<semaphore_mem>>) attributes {dimension_semantics = [#tpu.dimension_semantics<core_parallel>, #tpu.dimension_semantics<subcore_parallel>], iteration_bounds = array<i64: 2, 16>, scalar_prefetch = 0 : i64, scratch_operands = 10 : i64, tpu.core_type = #tpu.core_type<sc_vector_subcore>, window_params = [{transform_indices = #map}, {transform_indices = #map1}, {transform_indices = #map1}, {transform_indices = #map}, {transform_indices = #map}, {transform_indices = #map1}, {transform_indices = #map1}]} {
    %mul3A = arith.constant 16 : i32
    %mul3A_0 = arith.muli %arg0, %mul3A : i32
    %add3A = arith.addi %mul3A_0, %arg1 : i32
    "tpu.region"() ({
      %run_scoped3A = tpu.sem_alloc : memref<!tpu.dma_semaphore, #tpu.memory_space<semaphore_mem>>
      %dma_start3A_67 = arith.constant 0 : i32
      %dma_start3A_68 = arith.constant 0 : i32
      %dma_start3A_69 = tpu.memref_slice %arg3[%add3A, %dma_start3A_67, %dma_start3A_68] : memref<32x128x80xi32, #tpu.memory_space<hbm>> -> memref<1x128x80xi32, #tpu.memory_space<hbm>>
      %dma_start3A_70 = tpu.memref_squeeze %dma_start3A_69 : memref<1x128x80xi32, #tpu.memory_space<hbm>> -> memref<128x80xi32, #tpu.memory_space<hbm>>
      %dma_start3A_71 = arith.constant 0 : i32
      %dma_start3A_72 = arith.constant 0 : i32
      %dma_start3A_73 = tpu.memref_slice %arg3[%add3A, %dma_start3A_71, %dma_start3A_72] : memref<32x128x80xi32, #tpu.memory_space<hbm>> -> memref<1x128x80xi32, #tpu.memory_space<hbm>>
      %dma_start3A_74 = tpu.memref_squeeze %dma_start3A_73 : memref<1x128x80xi32, #tpu.memory_space<hbm>> -> memref<128x80xi32, #tpu.memory_space<hbm>>
      tpu.enqueue_dma source(%dma_start3A_74 : memref<128x80xi32, #tpu.memory_space<hbm>>) target(%arg9 : memref<128x80xi32, #tpu.memory_space<vmem>>) target_semaphore(%run_scoped3A : memref<!tpu.dma_semaphore, #tpu.memory_space<semaphore_mem>>)
      %dma_wait3A = arith.constant 0 : i32
      %dma_wait3A_75 = arith.constant 0 : i32
      %dma_wait3A_76 = tpu.memref_slice %arg3[%add3A, %dma_wait3A, %dma_wait3A_75] : memref<32x128x80xi32, #tpu.memory_space<hbm>> -> memref<1x128x80xi32, #tpu.memory_space<hbm>>
      %dma_wait3A_77 = tpu.memref_squeeze %dma_wait3A_76 : memref<1x128x80xi32, #tpu.memory_space<hbm>> -> memref<128x80xi32, #tpu.memory_space<hbm>>
      %dma_wait3A_78 = arith.constant 0 : i32
      %dma_wait3A_79 = arith.constant 0 : i32
      %dma_wait3A_80 = tpu.memref_slice %arg3[%add3A, %dma_wait3A_78, %dma_wait3A_79] : memref<32x128x80xi32, #tpu.memory_space<hbm>> -> memref<1x128x80xi32, #tpu.memory_space<hbm>>
      %dma_wait3A_81 = tpu.memref_squeeze %dma_wait3A_80 : memref<1x128x80xi32, #tpu.memory_space<hbm>> -> memref<128x80xi32, #tpu.memory_space<hbm>>
      tpu.wait_dma2 semaphore(%run_scoped3A : memref<!tpu.dma_semaphore, #tpu.memory_space<semaphore_mem>>) src(%dma_wait3A_81 : memref<128x80xi32, #tpu.memory_space<hbm>>) dst(%arg9 : memref<128x80xi32, #tpu.memory_space<vmem>>)
      tpu.yield
    }) : () -> ()
    "tpu.region"() ({
      %run_scoped3A = tpu.sem_alloc : memref<!tpu.dma_semaphore, #tpu.memory_space<semaphore_mem>>
      %dma_start3A_67 = arith.constant 0 : i32
      %dma_start3A_68 = arith.constant 0 : i32
      %dma_start3A_69 = tpu.memref_slice %arg4[%add3A, %dma_start3A_67, %dma_start3A_68] : memref<32x128x80xi32, #tpu.memory_space<hbm>> -> memref<1x128x80xi32, #tpu.memory_space<hbm>>
      %dma_start3A_70 = tpu.memref_squeeze %dma_start3A_69 : memref<1x128x80xi32, #tpu.memory_space<hbm>> -> memref<128x80xi32, #tpu.memory_space<hbm>>
      %dma_start3A_71 = arith.constant 0 : i32
      %dma_start3A_72 = arith.constant 0 : i32
      %dma_start3A_73 = tpu.memref_slice %arg4[%add3A, %dma_start3A_71, %dma_start3A_72] : memref<32x128x80xi32, #tpu.memory_space<hbm>> -> memref<1x128x80xi32, #tpu.memory_space<hbm>>
      %dma_start3A_74 = tpu.memref_squeeze %dma_start3A_73 : memref<1x128x80xi32, #tpu.memory_space<hbm>> -> memref<128x80xi32, #tpu.memory_space<hbm>>
      tpu.enqueue_dma source(%dma_start3A_74 : memref<128x80xi32, #tpu.memory_space<hbm>>) target(%arg10 : memref<128x80xi32, #tpu.memory_space<vmem>>) target_semaphore(%run_scoped3A : memref<!tpu.dma_semaphore, #tpu.memory_space<semaphore_mem>>)
      %dma_wait3A = arith.constant 0 : i32
      %dma_wait3A_75 = arith.constant 0 : i32
      %dma_wait3A_76 = tpu.memref_slice %arg4[%add3A, %dma_wait3A, %dma_wait3A_75] : memref<32x128x80xi32, #tpu.memory_space<hbm>> -> memref<1x128x80xi32, #tpu.memory_space<hbm>>
      %dma_wait3A_77 = tpu.memref_squeeze %dma_wait3A_76 : memref<1x128x80xi32, #tpu.memory_space<hbm>> -> memref<128x80xi32, #tpu.memory_space<hbm>>
      %dma_wait3A_78 = arith.constant 0 : i32
      %dma_wait3A_79 = arith.constant 0 : i32
      %dma_wait3A_80 = tpu.memref_slice %arg4[%add3A, %dma_wait3A_78, %dma_wait3A_79] : memref<32x128x80xi32, #tpu.memory_space<hbm>> -> memref<1x128x80xi32, #tpu.memory_space<hbm>>
      %dma_wait3A_81 = tpu.memref_squeeze %dma_wait3A_80 : memref<1x128x80xi32, #tpu.memory_space<hbm>> -> memref<128x80xi32, #tpu.memory_space<hbm>>
      tpu.wait_dma2 semaphore(%run_scoped3A : memref<!tpu.dma_semaphore, #tpu.memory_space<semaphore_mem>>) src(%dma_wait3A_81 : memref<128x80xi32, #tpu.memory_space<hbm>>) dst(%arg10 : memref<128x80xi32, #tpu.memory_space<vmem>>)
      tpu.yield
    }) : () -> ()
    %broadcast_in_dim3A = arith.constant 0.000000e+00 : f32
    %broadcast_in_dim3A_1 = vector.broadcast %broadcast_in_dim3A : f32 to vector<16xf32>
    %scan3A = arith.constant 0 : i32
    %scan3A_2 = arith.constant 80 : i32
    %scan3A_3 = arith.addi %scan3A, %scan3A_2 : i32
    %scan3A_4 = arith.constant 1 : i32
    scf.for %scan3A_67 = %scan3A to %scan3A_3 step %scan3A_4  : i32 {
      %mul3A_68 = arith.constant 1 : i32
      %mul3A_69 = arith.muli %scan3A_67, %mul3A_68 : i32
      %add3A_70 = arith.constant 0 : i32
      %add3A_71 = arith.addi %add3A_70, %mul3A_69 : i32
      %swap3A = arith.index_cast %add3A_71 : i32 to index
      %swap3A_72 = arith.constant 0 : index
      %swap3A_73 = tpu.vector_load %arg11[%swap3A, %swap3A_72] {strides = array<i32>} : memref<80x128xf32, #tpu.memory_space<vmem>>, vector<16xf32>,
      tpu.vector_store %arg11[%swap3A, %swap3A_72], %broadcast_in_dim3A_1 {strides = array<i32>} : memref<80x128xf32, #tpu.memory_space<vmem>>, vector<16xf32>,
      %swap3A_74 = arith.index_cast %add3A_71 : i32 to index
      %swap3A_75 = arith.constant 16 : index
      %swap3A_76 = tpu.vector_load %arg11[%swap3A_74, %swap3A_75] {strides = array<i32>} : memref<80x128xf32, #tpu.memory_space<vmem>>, vector<16xf32>,
      tpu.vector_store %arg11[%swap3A_74, %swap3A_75], %broadcast_in_dim3A_1 {strides = array<i32>} : memref<80x128xf32, #tpu.memory_space<vmem>>, vector<16xf32>,
      %swap3A_77 = arith.index_cast %add3A_71 : i32 to index
      %swap3A_78 = arith.constant 32 : index
      %swap3A_79 = tpu.vector_load %arg11[%swap3A_77, %swap3A_78] {strides = array<i32>} : memref<80x128xf32, #tpu.memory_space<vmem>>, vector<16xf32>,
      tpu.vector_store %arg11[%swap3A_77, %swap3A_78], %broadcast_in_dim3A_1 {strides = array<i32>} : memref<80x128xf32, #tpu.memory_space<vmem>>, vector<16xf32>,
      %swap3A_80 = arith.index_cast %add3A_71 : i32 to index
      %swap3A_81 = arith.constant 48 : index
      %swap3A_82 = tpu.vector_load %arg11[%swap3A_80, %swap3A_81] {strides = array<i32>} : memref<80x128xf32, #tpu.memory_space<vmem>>, vector<16xf32>,
      tpu.vector_store %arg11[%swap3A_80, %swap3A_81], %broadcast_in_dim3A_1 {strides = array<i32>} : memref<80x128xf32, #tpu.memory_space<vmem>>, vector<16xf32>,
      %swap3A_83 = arith.index_cast %add3A_71 : i32 to index
      %swap3A_84 = arith.constant 64 : index
      %swap3A_85 = tpu.vector_load %arg11[%swap3A_83, %swap3A_84] {strides = array<i32>} : memref<80x128xf32, #tpu.memory_space<vmem>>, vector<16xf32>,
      tpu.vector_store %arg11[%swap3A_83, %swap3A_84], %broadcast_in_dim3A_1 {strides = array<i32>} : memref<80x128xf32, #tpu.memory_space<vmem>>, vector<16xf32>,
      %swap3A_86 = arith.index_cast %add3A_71 : i32 to index
      %swap3A_87 = arith.constant 80 : index
      %swap3A_88 = tpu.vector_load %arg11[%swap3A_86, %swap3A_87] {strides = array<i32>} : memref<80x128xf32, #tpu.memory_space<vmem>>, vector<16xf32>,
      tpu.vector_store %arg11[%swap3A_86, %swap3A_87], %broadcast_in_dim3A_1 {strides = array<i32>} : memref<80x128xf32, #tpu.memory_space<vmem>>, vector<16xf32>,
      %swap3A_89 = arith.index_cast %add3A_71 : i32 to index
      %swap3A_90 = arith.constant 96 : index
      %swap3A_91 = tpu.vector_load %arg11[%swap3A_89, %swap3A_90] {strides = array<i32>} : memref<80x128xf32, #tpu.memory_space<vmem>>, vector<16xf32>,
      tpu.vector_store %arg11[%swap3A_89, %swap3A_90], %broadcast_in_dim3A_1 {strides = array<i32>} : memref<80x128xf32, #tpu.memory_space<vmem>>, vector<16xf32>,
      %swap3A_92 = arith.index_cast %add3A_71 : i32 to index
      %swap3A_93 = arith.constant 112 : index
      %swap3A_94 = tpu.vector_load %arg11[%swap3A_92, %swap3A_93] {strides = array<i32>} : memref<80x128xf32, #tpu.memory_space<vmem>>, vector<16xf32>,
      tpu.vector_store %arg11[%swap3A_92, %swap3A_93], %broadcast_in_dim3A_1 {strides = array<i32>} : memref<80x128xf32, #tpu.memory_space<vmem>>, vector<16xf32>,
    }
    %scan3A_5 = arith.constant 80 : i32
    %mul3A_6 = arith.constant 640 : i32
    %mul3A_7 = arith.muli %arg1, %mul3A_6 : i32
    %add3A_8 = arith.constant 0 : i32
    %add3A_9 = arith.addi %mul3A_7, %add3A_8 : i32
    "tpu.region"() ({
      %run_scoped3A = tpu.sem_alloc : memref<!tpu.dma_semaphore, #tpu.memory_space<semaphore_mem>>
      %dma_start3A_67 = arith.constant 0 : i32
      %dma_start3A_68 = tpu.memref_slice %arg14[%add3A_9, %dma_start3A_67] : memref<10240x128xf32, #tpu.memory_space<vmem_shared>> -> memref<80x128xf32, #tpu.memory_space<vmem_shared>>
      %dma_start3A_69 = arith.constant 0 : i32
      %dma_start3A_70 = tpu.memref_slice %arg14[%add3A_9, %dma_start3A_69] : memref<10240x128xf32, #tpu.memory_space<vmem_shared>> -> memref<80x128xf32, #tpu.memory_space<vmem_shared>>
      tpu.enqueue_dma source(%arg11 : memref<80x128xf32, #tpu.memory_space<vmem>>) target(%dma_start3A_70 : memref<80x128xf32, #tpu.memory_space<vmem_shared>>) target_semaphore(%run_scoped3A : memref<!tpu.dma_semaphore, #tpu.memory_space<semaphore_mem>>)
      %dma_wait3A = arith.constant 0 : i32
      %dma_wait3A_71 = tpu.memref_slice %arg14[%add3A_9, %dma_wait3A] : memref<10240x128xf32, #tpu.memory_space<vmem_shared>> -> memref<80x128xf32, #tpu.memory_space<vmem_shared>>
      %dma_wait3A_72 = arith.constant 0 : i32
      %dma_wait3A_73 = tpu.memref_slice %arg14[%add3A_9, %dma_wait3A_72] : memref<10240x128xf32, #tpu.memory_space<vmem_shared>> -> memref<80x128xf32, #tpu.memory_space<vmem_shared>>
      tpu.wait_dma2 semaphore(%run_scoped3A : memref<!tpu.dma_semaphore, #tpu.memory_space<semaphore_mem>>) src(%arg11 : memref<80x128xf32, #tpu.memory_space<vmem>>) dst(%dma_wait3A_73 : memref<80x128xf32, #tpu.memory_space<vmem_shared>>)
      tpu.yield
    }) : () -> ()
    %mul3A_10 = arith.constant 640 : i32
    %mul3A_11 = arith.muli %arg1, %mul3A_10 : i32
    %add3A_12 = arith.constant 80 : i32
    %add3A_13 = arith.addi %mul3A_11, %add3A_12 : i32
    "tpu.region"() ({
      %run_scoped3A = tpu.sem_alloc : memref<!tpu.dma_semaphore, #tpu.memory_space<semaphore_mem>>
      %dma_start3A_67 = arith.constant 0 : i32
      %dma_start3A_68 = tpu.memref_slice %arg14[%add3A_13, %dma_start3A_67] : memref<10240x128xf32, #tpu.memory_space<vmem_shared>> -> memref<80x128xf32, #tpu.memory_space<vmem_shared>>
      %dma_start3A_69 = arith.constant 0 : i32
      %dma_start3A_70 = tpu.memref_slice %arg14[%add3A_13, %dma_start3A_69] : memref<10240x128xf32, #tpu.memory_space<vmem_shared>> -> memref<80x128xf32, #tpu.memory_space<vmem_shared>>
      tpu.enqueue_dma source(%arg11 : memref<80x128xf32, #tpu.memory_space<vmem>>) target(%dma_start3A_70 : memref<80x128xf32, #tpu.memory_space<vmem_shared>>) target_semaphore(%run_scoped3A : memref<!tpu.dma_semaphore, #tpu.memory_space<semaphore_mem>>)
      %dma_wait3A = arith.constant 0 : i32
      %dma_wait3A_71 = tpu.memref_slice %arg14[%add3A_13, %dma_wait3A] : memref<10240x128xf32, #tpu.memory_space<vmem_shared>> -> memref<80x128xf32, #tpu.memory_space<vmem_shared>>
      %dma_wait3A_72 = arith.constant 0 : i32
      %dma_wait3A_73 = tpu.memref_slice %arg14[%add3A_13, %dma_wait3A_72] : memref<10240x128xf32, #tpu.memory_space<vmem_shared>> -> memref<80x128xf32, #tpu.memory_space<vmem_shared>>
      tpu.wait_dma2 semaphore(%run_scoped3A : memref<!tpu.dma_semaphore, #tpu.memory_space<semaphore_mem>>) src(%arg11 : memref<80x128xf32, #tpu.memory_space<vmem>>) dst(%dma_wait3A_73 : memref<80x128xf32, #tpu.memory_space<vmem_shared>>)
      tpu.yield
    }) : () -> ()
    %mul3A_14 = arith.constant 640 : i32
    %mul3A_15 = arith.muli %arg1, %mul3A_14 : i32
    %add3A_16 = arith.constant 160 : i32
    %add3A_17 = arith.addi %mul3A_15, %add3A_16 : i32
    "tpu.region"() ({
      %run_scoped3A = tpu.sem_alloc : memref<!tpu.dma_semaphore, #tpu.memory_space<semaphore_mem>>
      %dma_start3A_67 = arith.constant 0 : i32
      %dma_start3A_68 = tpu.memref_slice %arg14[%add3A_17, %dma_start3A_67] : memref<10240x128xf32, #tpu.memory_space<vmem_shared>> -> memref<80x128xf32, #tpu.memory_space<vmem_shared>>
      %dma_start3A_69 = arith.constant 0 : i32
      %dma_start3A_70 = tpu.memref_slice %arg14[%add3A_17, %dma_start3A_69] : memref<10240x128xf32, #tpu.memory_space<vmem_shared>> -> memref<80x128xf32, #tpu.memory_space<vmem_shared>>
      tpu.enqueue_dma source(%arg11 : memref<80x128xf32, #tpu.memory_space<vmem>>) target(%dma_start3A_70 : memref<80x128xf32, #tpu.memory_space<vmem_shared>>) target_semaphore(%run_scoped3A : memref<!tpu.dma_semaphore, #tpu.memory_space<semaphore_mem>>)
      %dma_wait3A = arith.constant 0 : i32
      %dma_wait3A_71 = tpu.memref_slice %arg14[%add3A_17, %dma_wait3A] : memref<10240x128xf32, #tpu.memory_space<vmem_shared>> -> memref<80x128xf32, #tpu.memory_space<vmem_shared>>
      %dma_wait3A_72 = arith.constant 0 : i32
      %dma_wait3A_73 = tpu.memref_slice %arg14[%add3A_17, %dma_wait3A_72] : memref<10240x128xf32, #tpu.memory_space<vmem_shared>> -> memref<80x128xf32, #tpu.memory_space<vmem_shared>>
      tpu.wait_dma2 semaphore(%run_scoped3A : memref<!tpu.dma_semaphore, #tpu.memory_space<semaphore_mem>>) src(%arg11 : memref<80x128xf32, #tpu.memory_space<vmem>>) dst(%dma_wait3A_73 : memref<80x128xf32, #tpu.memory_space<vmem_shared>>)
      tpu.yield
    }) : () -> ()
    %mul3A_18 = arith.constant 640 : i32
    %mul3A_19 = arith.muli %arg1, %mul3A_18 : i32
    %add3A_20 = arith.constant 240 : i32
    %add3A_21 = arith.addi %mul3A_19, %add3A_20 : i32
    "tpu.region"() ({
      %run_scoped3A = tpu.sem_alloc : memref<!tpu.dma_semaphore, #tpu.memory_space<semaphore_mem>>
      %dma_start3A_67 = arith.constant 0 : i32
      %dma_start3A_68 = tpu.memref_slice %arg14[%add3A_21, %dma_start3A_67] : memref<10240x128xf32, #tpu.memory_space<vmem_shared>> -> memref<80x128xf32, #tpu.memory_space<vmem_shared>>
      %dma_start3A_69 = arith.constant 0 : i32
      %dma_start3A_70 = tpu.memref_slice %arg14[%add3A_21, %dma_start3A_69] : memref<10240x128xf32, #tpu.memory_space<vmem_shared>> -> memref<80x128xf32, #tpu.memory_space<vmem_shared>>
      tpu.enqueue_dma source(%arg11 : memref<80x128xf32, #tpu.memory_space<vmem>>) target(%dma_start3A_70 : memref<80x128xf32, #tpu.memory_space<vmem_shared>>) target_semaphore(%run_scoped3A : memref<!tpu.dma_semaphore, #tpu.memory_space<semaphore_mem>>)
      %dma_wait3A = arith.constant 0 : i32
      %dma_wait3A_71 = tpu.memref_slice %arg14[%add3A_21, %dma_wait3A] : memref<10240x128xf32, #tpu.memory_space<vmem_shared>> -> memref<80x128xf32, #tpu.memory_space<vmem_shared>>
      %dma_wait3A_72 = arith.constant 0 : i32
      %dma_wait3A_73 = tpu.memref_slice %arg14[%add3A_21, %dma_wait3A_72] : memref<10240x128xf32, #tpu.memory_space<vmem_shared>> -> memref<80x128xf32, #tpu.memory_space<vmem_shared>>
      tpu.wait_dma2 semaphore(%run_scoped3A : memref<!tpu.dma_semaphore, #tpu.memory_space<semaphore_mem>>) src(%arg11 : memref<80x128xf32, #tpu.memory_space<vmem>>) dst(%dma_wait3A_73 : memref<80x128xf32, #tpu.memory_space<vmem_shared>>)
      tpu.yield
    }) : () -> ()
    %mul3A_22 = arith.constant 640 : i32
    %mul3A_23 = arith.muli %arg1, %mul3A_22 : i32
    %add3A_24 = arith.constant 320 : i32
    %add3A_25 = arith.addi %mul3A_23, %add3A_24 : i32
    "tpu.region"() ({
      %run_scoped3A = tpu.sem_alloc : memref<!tpu.dma_semaphore, #tpu.memory_space<semaphore_mem>>
      %dma_start3A_67 = arith.constant 0 : i32
      %dma_start3A_68 = tpu.memref_slice %arg14[%add3A_25, %dma_start3A_67] : memref<10240x128xf32, #tpu.memory_space<vmem_shared>> -> memref<80x128xf32, #tpu.memory_space<vmem_shared>>
      %dma_start3A_69 = arith.constant 0 : i32
      %dma_start3A_70 = tpu.memref_slice %arg14[%add3A_25, %dma_start3A_69] : memref<10240x128xf32, #tpu.memory_space<vmem_shared>> -> memref<80x128xf32, #tpu.memory_space<vmem_shared>>
      tpu.enqueue_dma source(%arg11 : memref<80x128xf32, #tpu.memory_space<vmem>>) target(%dma_start3A_70 : memref<80x128xf32, #tpu.memory_space<vmem_shared>>) target_semaphore(%run_scoped3A : memref<!tpu.dma_semaphore, #tpu.memory_space<semaphore_mem>>)
      %dma_wait3A = arith.constant 0 : i32
      %dma_wait3A_71 = tpu.memref_slice %arg14[%add3A_25, %dma_wait3A] : memref<10240x128xf32, #tpu.memory_space<vmem_shared>> -> memref<80x128xf32, #tpu.memory_space<vmem_shared>>
      %dma_wait3A_72 = arith.constant 0 : i32
      %dma_wait3A_73 = tpu.memref_slice %arg14[%add3A_25, %dma_wait3A_72] : memref<10240x128xf32, #tpu.memory_space<vmem_shared>> -> memref<80x128xf32, #tpu.memory_space<vmem_shared>>
      tpu.wait_dma2 semaphore(%run_scoped3A : memref<!tpu.dma_semaphore, #tpu.memory_space<semaphore_mem>>) src(%arg11 : memref<80x128xf32, #tpu.memory_space<vmem>>) dst(%dma_wait3A_73 : memref<80x128xf32, #tpu.memory_space<vmem_shared>>)
      tpu.yield
    }) : () -> ()
    %mul3A_26 = arith.constant 640 : i32
    %mul3A_27 = arith.muli %arg1, %mul3A_26 : i32
    %add3A_28 = arith.constant 400 : i32
    %add3A_29 = arith.addi %mul3A_27, %add3A_28 : i32
    "tpu.region"() ({
      %run_scoped3A = tpu.sem_alloc : memref<!tpu.dma_semaphore, #tpu.memory_space<semaphore_mem>>
      %dma_start3A_67 = arith.constant 0 : i32
      %dma_start3A_68 = tpu.memref_slice %arg14[%add3A_29, %dma_start3A_67] : memref<10240x128xf32, #tpu.memory_space<vmem_shared>> -> memref<80x128xf32, #tpu.memory_space<vmem_shared>>
      %dma_start3A_69 = arith.constant 0 : i32
      %dma_start3A_70 = tpu.memref_slice %arg14[%add3A_29, %dma_start3A_69] : memref<10240x128xf32, #tpu.memory_space<vmem_shared>> -> memref<80x128xf32, #tpu.memory_space<vmem_shared>>
      tpu.enqueue_dma source(%arg11 : memref<80x128xf32, #tpu.memory_space<vmem>>) target(%dma_start3A_70 : memref<80x128xf32, #tpu.memory_space<vmem_shared>>) target_semaphore(%run_scoped3A : memref<!tpu.dma_semaphore, #tpu.memory_space<semaphore_mem>>)
      %dma_wait3A = arith.constant 0 : i32
      %dma_wait3A_71 = tpu.memref_slice %arg14[%add3A_29, %dma_wait3A] : memref<10240x128xf32, #tpu.memory_space<vmem_shared>> -> memref<80x128xf32, #tpu.memory_space<vmem_shared>>
      %dma_wait3A_72 = arith.constant 0 : i32
      %dma_wait3A_73 = tpu.memref_slice %arg14[%add3A_29, %dma_wait3A_72] : memref<10240x128xf32, #tpu.memory_space<vmem_shared>> -> memref<80x128xf32, #tpu.memory_space<vmem_shared>>
      tpu.wait_dma2 semaphore(%run_scoped3A : memref<!tpu.dma_semaphore, #tpu.memory_space<semaphore_mem>>) src(%arg11 : memref<80x128xf32, #tpu.memory_space<vmem>>) dst(%dma_wait3A_73 : memref<80x128xf32, #tpu.memory_space<vmem_shared>>)
      tpu.yield
    }) : () -> ()
    %mul3A_30 = arith.constant 640 : i32
    %mul3A_31 = arith.muli %arg1, %mul3A_30 : i32
    %add3A_32 = arith.constant 480 : i32
    %add3A_33 = arith.addi %mul3A_31, %add3A_32 : i32
    "tpu.region"() ({
      %run_scoped3A = tpu.sem_alloc : memref<!tpu.dma_semaphore, #tpu.memory_space<semaphore_mem>>
      %dma_start3A_67 = arith.constant 0 : i32
      %dma_start3A_68 = tpu.memref_slice %arg14[%add3A_33, %dma_start3A_67] : memref<10240x128xf32, #tpu.memory_space<vmem_shared>> -> memref<80x128xf32, #tpu.memory_space<vmem_shared>>
      %dma_start3A_69 = arith.constant 0 : i32
      %dma_start3A_70 = tpu.memref_slice %arg14[%add3A_33, %dma_start3A_69] : memref<10240x128xf32, #tpu.memory_space<vmem_shared>> -> memref<80x128xf32, #tpu.memory_space<vmem_shared>>
      tpu.enqueue_dma source(%arg11 : memref<80x128xf32, #tpu.memory_space<vmem>>) target(%dma_start3A_70 : memref<80x128xf32, #tpu.memory_space<vmem_shared>>) target_semaphore(%run_scoped3A : memref<!tpu.dma_semaphore, #tpu.memory_space<semaphore_mem>>)
      %dma_wait3A = arith.constant 0 : i32
      %dma_wait3A_71 = tpu.memref_slice %arg14[%add3A_33, %dma_wait3A] : memref<10240x128xf32, #tpu.memory_space<vmem_shared>> -> memref<80x128xf32, #tpu.memory_space<vmem_shared>>
      %dma_wait3A_72 = arith.constant 0 : i32
      %dma_wait3A_73 = tpu.memref_slice %arg14[%add3A_33, %dma_wait3A_72] : memref<10240x128xf32, #tpu.memory_space<vmem_shared>> -> memref<80x128xf32, #tpu.memory_space<vmem_shared>>
      tpu.wait_dma2 semaphore(%run_scoped3A : memref<!tpu.dma_semaphore, #tpu.memory_space<semaphore_mem>>) src(%arg11 : memref<80x128xf32, #tpu.memory_space<vmem>>) dst(%dma_wait3A_73 : memref<80x128xf32, #tpu.memory_space<vmem_shared>>)
      tpu.yield
    }) : () -> ()
    %mul3A_34 = arith.constant 640 : i32
    %mul3A_35 = arith.muli %arg1, %mul3A_34 : i32
    %add3A_36 = arith.constant 560 : i32
    %add3A_37 = arith.addi %mul3A_35, %add3A_36 : i32
    "tpu.region"() ({
      %run_scoped3A = tpu.sem_alloc : memref<!tpu.dma_semaphore, #tpu.memory_space<semaphore_mem>>
      %dma_start3A_67 = arith.constant 0 : i32
      %dma_start3A_68 = tpu.memref_slice %arg14[%add3A_37, %dma_start3A_67] : memref<10240x128xf32, #tpu.memory_space<vmem_shared>> -> memref<80x128xf32, #tpu.memory_space<vmem_shared>>
      %dma_start3A_69 = arith.constant 0 : i32
      %dma_start3A_70 = tpu.memref_slice %arg14[%add3A_37, %dma_start3A_69] : memref<10240x128xf32, #tpu.memory_space<vmem_shared>> -> memref<80x128xf32, #tpu.memory_space<vmem_shared>>
      tpu.enqueue_dma source(%arg11 : memref<80x128xf32, #tpu.memory_space<vmem>>) target(%dma_start3A_70 : memref<80x128xf32, #tpu.memory_space<vmem_shared>>) target_semaphore(%run_scoped3A : memref<!tpu.dma_semaphore, #tpu.memory_space<semaphore_mem>>)
      %dma_wait3A = arith.constant 0 : i32
      %dma_wait3A_71 = tpu.memref_slice %arg14[%add3A_37, %dma_wait3A] : memref<10240x128xf32, #tpu.memory_space<vmem_shared>> -> memref<80x128xf32, #tpu.memory_space<vmem_shared>>
      %dma_wait3A_72 = arith.constant 0 : i32
      %dma_wait3A_73 = tpu.memref_slice %arg14[%add3A_37, %dma_wait3A_72] : memref<10240x128xf32, #tpu.memory_space<vmem_shared>> -> memref<80x128xf32, #tpu.memory_space<vmem_shared>>
      tpu.wait_dma2 semaphore(%run_scoped3A : memref<!tpu.dma_semaphore, #tpu.memory_space<semaphore_mem>>) src(%arg11 : memref<80x128xf32, #tpu.memory_space<vmem>>) dst(%dma_wait3A_73 : memref<80x128xf32, #tpu.memory_space<vmem_shared>>)
      tpu.yield
    }) : () -> ()
    %mul3A_38 = arith.constant 640 : i32
    %mul3A_39 = arith.muli %arg1, %mul3A_38 : i32
    %mul3A_40 = arith.constant 640 : i32
    %mul3A_41 = arith.muli %arg1, %mul3A_40 : i32
    "tpu.region"() ({
      %run_scoped3A = tpu.sem_alloc : memref<!tpu.dma_semaphore, #tpu.memory_space<semaphore_mem>>
      %dma_start3A_67 = arith.constant 0 : i32
      %dma_start3A_68 = tpu.memref_slice %arg15[%mul3A_41, %dma_start3A_67] : memref<10240x8xf32, #tpu.memory_space<vmem_shared>> -> memref<640x8xf32, #tpu.memory_space<vmem_shared>>
      %dma_start3A_69 = arith.constant 0 : i32
      %dma_start3A_70 = tpu.memref_slice %arg5[%mul3A_39, %dma_start3A_69] : memref<10240x8xf32, #tpu.memory_space<hbm>> -> memref<640x8xf32, #tpu.memory_space<hbm>>
      tpu.enqueue_dma source(%dma_start3A_70 : memref<640x8xf32, #tpu.memory_space<hbm>>) target(%dma_start3A_68 : memref<640x8xf32, #tpu.memory_space<vmem_shared>>) target_semaphore(%run_scoped3A : memref<!tpu.dma_semaphore, #tpu.memory_space<semaphore_mem>>)
      %dma_wait3A = arith.constant 0 : i32
      %dma_wait3A_71 = tpu.memref_slice %arg15[%mul3A_41, %dma_wait3A] : memref<10240x8xf32, #tpu.memory_space<vmem_shared>> -> memref<640x8xf32, #tpu.memory_space<vmem_shared>>
      %dma_wait3A_72 = arith.constant 0 : i32
      %dma_wait3A_73 = tpu.memref_slice %arg5[%mul3A_39, %dma_wait3A_72] : memref<10240x8xf32, #tpu.memory_space<hbm>> -> memref<640x8xf32, #tpu.memory_space<hbm>>
      tpu.wait_dma2 semaphore(%run_scoped3A : memref<!tpu.dma_semaphore, #tpu.memory_space<semaphore_mem>>) src(%dma_wait3A_73 : memref<640x8xf32, #tpu.memory_space<hbm>>) dst(%dma_wait3A_71 : memref<640x8xf32, #tpu.memory_space<vmem_shared>>)
      tpu.yield
    }) : () -> ()
    "tpu.region"() ({
      %run_scoped3A = tpu.sem_alloc : memref<!tpu.dma_semaphore, #tpu.memory_space<semaphore_mem>>
      tpu.enqueue_dma source(%arg6 : memref<80x8xf32, #tpu.memory_space<hbm>>) target(%arg13 : memref<80x8xf32, #tpu.memory_space<vmem>>) target_semaphore(%run_scoped3A : memref<!tpu.dma_semaphore, #tpu.memory_space<semaphore_mem>>)
      tpu.wait_dma2 semaphore(%run_scoped3A : memref<!tpu.dma_semaphore, #tpu.memory_space<semaphore_mem>>) src(%arg6 : memref<80x8xf32, #tpu.memory_space<hbm>>) dst(%arg13 : memref<80x8xf32, #tpu.memory_space<vmem>>)
      tpu.yield
    }) : () -> ()
    %barrier3A = arith.constant 0 : index
    tpu.barrier barrier_id(%barrier3A)
    %dma_start3A = arith.constant 0 : i32
    %dma_start3A_42 = arith.constant 0 : i32
    %dma_start3A_43 = tpu.memref_slice %arg9[%dma_start3A, %dma_start3A_42] : memref<128x80xi32, #tpu.memory_space<vmem>> -> memref<1x80xi32, #tpu.memory_space<vmem>>
    %dma_start3A_44 = tpu.memref_squeeze %dma_start3A_43 : memref<1x80xi32, #tpu.memory_space<vmem>> -> memref<80xi32, #tpu.memory_space<vmem>>
    %dma_start3A_45 = arith.constant 0 : i32
    %dma_start3A_46 = arith.constant 0 : i32
    %dma_start3A_47 = tpu.memref_slice %arg2[%dma_start3A_45, %dma_start3A_46] : memref<10000x128xf32, #tpu.memory_space<hbm>> -> memref<10000x128xf32, #tpu.memory_space<hbm>>
    tpu.enqueue_indirect_dma source(%dma_start3A_47 : memref<10000x128xf32, #tpu.memory_space<hbm>>) target(%arg11 : memref<80x128xf32, #tpu.memory_space<vmem>>) offsets(%dma_start3A_44 : memref<80xi32, #tpu.memory_space<vmem>>) semaphore(%arg16 : memref<!tpu.dma_semaphore, #tpu.memory_space<semaphore_mem>>)
    %scan3A_48 = arith.constant 0 : i32
    %scan3A_49 = arith.constant 64 : i32
    %scan3A_50 = arith.addi %scan3A_48, %scan3A_49 : i32
    %scan3A_51 = arith.constant 1 : i32
    scf.for %scan3A_67 = %scan3A_48 to %scan3A_50 step %scan3A_51  : i32 {
      %mul3A_68 = arith.constant 2 : i32
      %mul3A_69 = arith.muli %scan3A_67, %mul3A_68 : i32
      %add3A_70 = arith.constant 0 : i32
      %add3A_71 = arith.addi %add3A_70, %mul3A_69 : i32
      %add3A_72 = arith.constant 1 : i32
      %add3A_73 = arith.addi %add3A_71, %add3A_72 : i32
      %dma_start3A_74 = arith.constant 0 : i32
      %dma_start3A_75 = tpu.memref_slice %arg9[%add3A_73, %dma_start3A_74] : memref<128x80xi32, #tpu.memory_space<vmem>> -> memref<1x80xi32, #tpu.memory_space<vmem>>
      %dma_start3A_76 = tpu.memref_squeeze %dma_start3A_75 : memref<1x80xi32, #tpu.memory_space<vmem>> -> memref<80xi32, #tpu.memory_space<vmem>>
      %dma_start3A_77 = arith.constant 0 : i32
      %dma_start3A_78 = arith.constant 0 : i32
      %dma_start3A_79 = tpu.memref_slice %arg2[%dma_start3A_77, %dma_start3A_78] : memref<10000x128xf32, #tpu.memory_space<hbm>> -> memref<10000x128xf32, #tpu.memory_space<hbm>>
      tpu.enqueue_indirect_dma source(%dma_start3A_79 : memref<10000x128xf32, #tpu.memory_space<hbm>>) target(%arg12 : memref<80x128xf32, #tpu.memory_space<vmem>>) offsets(%dma_start3A_76 : memref<80xi32, #tpu.memory_space<vmem>>) semaphore(%arg17 : memref<!tpu.dma_semaphore, #tpu.memory_space<semaphore_mem>>)
      %dma_wait3A = arith.constant 0 : i32
      %dma_wait3A_80 = arith.constant 0 : i32
      %dma_wait3A_81 = tpu.memref_slice %arg2[%dma_wait3A, %dma_wait3A_80] : memref<10000x128xf32, #tpu.memory_space<hbm>> -> memref<80x128xf32, #tpu.memory_space<hbm>>
      %dma_wait3A_82 = arith.constant 0 : i32
      %dma_wait3A_83 = arith.constant 0 : i32
      %dma_wait3A_84 = tpu.memref_slice %arg2[%dma_wait3A_82, %dma_wait3A_83] : memref<10000x128xf32, #tpu.memory_space<hbm>> -> memref<80x128xf32, #tpu.memory_space<hbm>>
      tpu.wait_dma2 semaphore(%arg16 : memref<!tpu.dma_semaphore, #tpu.memory_space<semaphore_mem>>) src(%dma_wait3A_84 : memref<80x128xf32, #tpu.memory_space<hbm>>) dst(%arg11 : memref<80x128xf32, #tpu.memory_space<vmem>>)
      "tpu.region"() ({
        %run_scoped3A = tpu.sem_alloc : memref<!tpu.dma_semaphore, #tpu.memory_space<semaphore_mem>>
        %dma_start3A_109 = arith.constant 0 : i32
        %dma_start3A_110 = tpu.memref_slice %arg10[%add3A_71, %dma_start3A_109] : memref<128x80xi32, #tpu.memory_space<vmem>> -> memref<1x80xi32, #tpu.memory_space<vmem>>
        %dma_start3A_111 = tpu.memref_squeeze %dma_start3A_110 : memref<1x80xi32, #tpu.memory_space<vmem>> -> memref<80xi32, #tpu.memory_space<vmem>>
        %dma_start3A_112 = arith.constant 0 : i32
        %dma_start3A_113 = arith.constant 0 : i32
        %dma_start3A_114 = tpu.memref_slice %arg14[%dma_start3A_112, %dma_start3A_113] : memref<10240x128xf32, #tpu.memory_space<vmem_shared>> -> memref<10240x128xf32, #tpu.memory_space<vmem_shared>>
        tpu.enqueue_indirect_dma source(%arg11 : memref<80x128xf32, #tpu.memory_space<vmem>>) target(%dma_start3A_114 : memref<10240x128xf32, #tpu.memory_space<vmem_shared>>) offsets(%dma_start3A_111 : memref<80xi32, #tpu.memory_space<vmem>>) semaphore(%run_scoped3A : memref<!tpu.dma_semaphore, #tpu.memory_space<semaphore_mem>>) {add = true}
        %dma_wait3A_115 = arith.constant 0 : i32
        %dma_wait3A_116 = tpu.memref_slice %arg10[%add3A_71, %dma_wait3A_115] : memref<128x80xi32, #tpu.memory_space<vmem>> -> memref<1x80xi32, #tpu.memory_space<vmem>>
        %dma_wait3A_117 = tpu.memref_squeeze %dma_wait3A_116 : memref<1x80xi32, #tpu.memory_space<vmem>> -> memref<80xi32, #tpu.memory_space<vmem>>
        %dma_wait3A_118 = arith.constant 0 : i32
        %dma_wait3A_119 = arith.constant 0 : i32
        %dma_wait3A_120 = tpu.memref_slice %arg14[%dma_wait3A_118, %dma_wait3A_119] : memref<10240x128xf32, #tpu.memory_space<vmem_shared>> -> memref<10240x128xf32, #tpu.memory_space<vmem_shared>>
        tpu.wait_indirect_dma semaphore(%run_scoped3A : memref<!tpu.dma_semaphore, #tpu.memory_space<semaphore_mem>>) src(%arg11 : memref<80x128xf32, #tpu.memory_space<vmem>>) dst(%dma_wait3A_120 : memref<10240x128xf32, #tpu.memory_space<vmem_shared>>)
        tpu.yield
      }) : () -> ()
      %dma_start3A_85 = arith.constant 0 : i32
      %dma_start3A_86 = tpu.memref_slice %arg10[%add3A_71, %dma_start3A_85] : memref<128x80xi32, #tpu.memory_space<vmem>> -> memref<1x80xi32, #tpu.memory_space<vmem>>
      %dma_start3A_87 = tpu.memref_squeeze %dma_start3A_86 : memref<1x80xi32, #tpu.memory_space<vmem>> -> memref<80xi32, #tpu.memory_space<vmem>>
      %dma_start3A_88 = arith.constant 0 : i32
      %dma_start3A_89 = arith.constant 0 : i32
      %dma_start3A_90 = tpu.memref_slice %arg15[%dma_start3A_88, %dma_start3A_89] : memref<10240x8xf32, #tpu.memory_space<vmem_shared>> -> memref<10240x8xf32, #tpu.memory_space<vmem_shared>>
      tpu.enqueue_indirect_dma source(%arg13 : memref<80x8xf32, #tpu.memory_space<vmem>>) target(%dma_start3A_90 : memref<10240x8xf32, #tpu.memory_space<vmem_shared>>) offsets(%dma_start3A_87 : memref<80xi32, #tpu.memory_space<vmem>>) semaphore(%arg18 : memref<!tpu.dma_semaphore, #tpu.memory_space<semaphore_mem>>) {add = true}
      %add3A_91 = arith.constant 2 : i32
      %add3A_92 = arith.addi %add3A_71, %add3A_91 : i32
      %lt3A = arith.constant 128 : i32
      %lt3A_93 = arith.cmpi slt, %add3A_92, %lt3A : i32
      %convert_element_type3A = arith.extui %lt3A_93 : i1 to i32
      %cond3A = arith.constant 0 : i32
      %cond3A_94 = arith.cmpi ne, %convert_element_type3A, %cond3A : i32
      scf.if %cond3A_94 {
        %add3A_109 = arith.constant 2 : i32
        %add3A_110 = arith.addi %add3A_71, %add3A_109 : i32
        %dma_start3A_111 = arith.constant 0 : i32
        %dma_start3A_112 = tpu.memref_slice %arg9[%add3A_110, %dma_start3A_111] : memref<128x80xi32, #tpu.memory_space<vmem>> -> memref<1x80xi32, #tpu.memory_space<vmem>>
        %dma_start3A_113 = tpu.memref_squeeze %dma_start3A_112 : memref<1x80xi32, #tpu.memory_space<vmem>> -> memref<80xi32, #tpu.memory_space<vmem>>
        %dma_start3A_114 = arith.constant 0 : i32
        %dma_start3A_115 = arith.constant 0 : i32
        %dma_start3A_116 = tpu.memref_slice %arg2[%dma_start3A_114, %dma_start3A_115] : memref<10000x128xf32, #tpu.memory_space<hbm>> -> memref<10000x128xf32, #tpu.memory_space<hbm>>
        tpu.enqueue_indirect_dma source(%dma_start3A_116 : memref<10000x128xf32, #tpu.memory_space<hbm>>) target(%arg11 : memref<80x128xf32, #tpu.memory_space<vmem>>) offsets(%dma_start3A_113 : memref<80xi32, #tpu.memory_space<vmem>>) semaphore(%arg16 : memref<!tpu.dma_semaphore, #tpu.memory_space<semaphore_mem>>)
      } else {
      }
      %dma_wait3A_95 = arith.constant 0 : i32
      %dma_wait3A_96 = tpu.memref_slice %arg9[%add3A_73, %dma_wait3A_95] : memref<128x80xi32, #tpu.memory_space<vmem>> -> memref<1x80xi32, #tpu.memory_space<vmem>>
      %dma_wait3A_97 = tpu.memref_squeeze %dma_wait3A_96 : memref<1x80xi32, #tpu.memory_space<vmem>> -> memref<80xi32, #tpu.memory_space<vmem>>
      %dma_wait3A_98 = arith.constant 0 : i32
      %dma_wait3A_99 = arith.constant 0 : i32
      %dma_wait3A_100 = tpu.memref_slice %arg2[%dma_wait3A_98, %dma_wait3A_99] : memref<10000x128xf32, #tpu.memory_space<hbm>> -> memref<10000x128xf32, #tpu.memory_space<hbm>>
      tpu.wait_indirect_dma semaphore(%arg17 : memref<!tpu.dma_semaphore, #tpu.memory_space<semaphore_mem>>) src(%dma_wait3A_100 : memref<10000x128xf32, #tpu.memory_space<hbm>>) dst(%arg12 : memref<80x128xf32, #tpu.memory_space<vmem>>)
      %add3A_101 = arith.constant 1 : i32
      %add3A_102 = arith.addi %add3A_71, %add3A_101 : i32
      "tpu.region"() ({
        %run_scoped3A = tpu.sem_alloc : memref<!tpu.dma_semaphore, #tpu.memory_space<semaphore_mem>>
        %dma_start3A_109 = arith.constant 0 : i32
        %dma_start3A_110 = tpu.memref_slice %arg10[%add3A_102, %dma_start3A_109] : memref<128x80xi32, #tpu.memory_space<vmem>> -> memref<1x80xi32, #tpu.memory_space<vmem>>
        %dma_start3A_111 = tpu.memref_squeeze %dma_start3A_110 : memref<1x80xi32, #tpu.memory_space<vmem>> -> memref<80xi32, #tpu.memory_space<vmem>>
        %dma_start3A_112 = arith.constant 0 : i32
        %dma_start3A_113 = arith.constant 0 : i32
        %dma_start3A_114 = tpu.memref_slice %arg14[%dma_start3A_112, %dma_start3A_113] : memref<10240x128xf32, #tpu.memory_space<vmem_shared>> -> memref<10240x128xf32, #tpu.memory_space<vmem_shared>>
        tpu.enqueue_indirect_dma source(%arg12 : memref<80x128xf32, #tpu.memory_space<vmem>>) target(%dma_start3A_114 : memref<10240x128xf32, #tpu.memory_space<vmem_shared>>) offsets(%dma_start3A_111 : memref<80xi32, #tpu.memory_space<vmem>>) semaphore(%run_scoped3A : memref<!tpu.dma_semaphore, #tpu.memory_space<semaphore_mem>>) {add = true}
        %dma_wait3A_115 = arith.constant 0 : i32
        %dma_wait3A_116 = tpu.memref_slice %arg10[%add3A_102, %dma_wait3A_115] : memref<128x80xi32, #tpu.memory_space<vmem>> -> memref<1x80xi32, #tpu.memory_space<vmem>>
        %dma_wait3A_117 = tpu.memref_squeeze %dma_wait3A_116 : memref<1x80xi32, #tpu.memory_space<vmem>> -> memref<80xi32, #tpu.memory_space<vmem>>
        %dma_wait3A_118 = arith.constant 0 : i32
        %dma_wait3A_119 = arith.constant 0 : i32
        %dma_wait3A_120 = tpu.memref_slice %arg14[%dma_wait3A_118, %dma_wait3A_119] : memref<10240x128xf32, #tpu.memory_space<vmem_shared>> -> memref<10240x128xf32, #tpu.memory_space<vmem_shared>>
        tpu.wait_indirect_dma semaphore(%run_scoped3A : memref<!tpu.dma_semaphore, #tpu.memory_space<semaphore_mem>>) src(%arg12 : memref<80x128xf32, #tpu.memory_space<vmem>>) dst(%dma_wait3A_120 : memref<10240x128xf32, #tpu.memory_space<vmem_shared>>)
        tpu.yield
      }) : () -> ()
      %dma_start3A_103 = arith.constant 0 : i32
      %dma_start3A_104 = tpu.memref_slice %arg10[%add3A_102, %dma_start3A_103] : memref<128x80xi32, #tpu.memory_space<vmem>> -> memref<1x80xi32, #tpu.memory_space<vmem>>
      %dma_start3A_105 = tpu.memref_squeeze %dma_start3A_104 : memref<1x80xi32, #tpu.memory_space<vmem>> -> memref<80xi32, #tpu.memory_space<vmem>>
      %dma_start3A_106 = arith.constant 0 : i32
      %dma_start3A_107 = arith.constant 0 : i32
      %dma_start3A_108 = tpu.memref_slice %arg15[%dma_start3A_106, %dma_start3A_107] : memref<10240x8xf32, #tpu.memory_space<vmem_shared>> -> memref<10240x8xf32, #tpu.memory_space<vmem_shared>>
      tpu.enqueue_indirect_dma source(%arg13 : memref<80x8xf32, #tpu.memory_space<vmem>>) target(%dma_start3A_108 : memref<10240x8xf32, #tpu.memory_space<vmem_shared>>) offsets(%dma_start3A_105 : memref<80xi32, #tpu.memory_space<vmem>>) semaphore(%arg18 : memref<!tpu.dma_semaphore, #tpu.memory_space<semaphore_mem>>) {add = true}
    }
    %scan3A_52 = arith.constant 64 : i32
    %scan3A_53 = arith.constant 0 : i32
    %scan3A_54 = arith.constant 128 : i32
    %scan3A_55 = arith.addi %scan3A_53, %scan3A_54 : i32
    %scan3A_56 = arith.constant 1 : i32
    scf.for %scan3A_67 = %scan3A_53 to %scan3A_55 step %scan3A_56  : i32 {
      %mul3A_68 = arith.constant 1 : i32
      %mul3A_69 = arith.muli %scan3A_67, %mul3A_68 : i32
      %add3A_70 = arith.constant 0 : i32
      %add3A_71 = arith.addi %add3A_70, %mul3A_69 : i32
      %dma_wait3A = arith.constant 0 : i32
      %dma_wait3A_72 = arith.constant 0 : i32
      %dma_wait3A_73 = tpu.memref_slice %arg5[%dma_wait3A, %dma_wait3A_72] : memref<10240x8xf32, #tpu.memory_space<hbm>> -> memref<80x8xf32, #tpu.memory_space<hbm>>
      %dma_wait3A_74 = arith.constant 0 : i32
      %dma_wait3A_75 = arith.constant 0 : i32
      %dma_wait3A_76 = tpu.memref_slice %arg5[%dma_wait3A_74, %dma_wait3A_75] : memref<10240x8xf32, #tpu.memory_space<hbm>> -> memref<80x8xf32, #tpu.memory_space<hbm>>
      tpu.wait_dma2 semaphore(%arg18 : memref<!tpu.dma_semaphore, #tpu.memory_space<semaphore_mem>>) src(%dma_wait3A_76 : memref<80x8xf32, #tpu.memory_space<hbm>>) dst(%arg13 : memref<80x8xf32, #tpu.memory_space<vmem>>)
    }
    %scan3A_57 = arith.constant 128 : i32
    %barrier3A_58 = arith.constant 0 : index
    tpu.barrier barrier_id(%barrier3A_58)
    %mul3A_59 = arith.constant 640 : i32
    %mul3A_60 = arith.muli %arg1, %mul3A_59 : i32
    %mul3A_61 = arith.constant 640 : i32
    %mul3A_62 = arith.muli %arg1, %mul3A_61 : i32
    "tpu.region"() ({
      %run_scoped3A = tpu.sem_alloc : memref<!tpu.dma_semaphore, #tpu.memory_space<semaphore_mem>>
      %dma_start3A_67 = arith.constant 0 : i32
      %dma_start3A_68 = tpu.memref_slice %arg7[%arg0, %mul3A_62, %dma_start3A_67] : memref<2x10240x128xf32, #tpu.memory_space<hbm>> -> memref<1x640x128xf32, #tpu.memory_space<hbm>>
      %dma_start3A_69 = tpu.memref_squeeze %dma_start3A_68 : memref<1x640x128xf32, #tpu.memory_space<hbm>> -> memref<640x128xf32, #tpu.memory_space<hbm>>
      %dma_start3A_70 = arith.constant 0 : i32
      %dma_start3A_71 = tpu.memref_slice %arg14[%mul3A_60, %dma_start3A_70] : memref<10240x128xf32, #tpu.memory_space<vmem_shared>> -> memref<640x128xf32, #tpu.memory_space<vmem_shared>>
      tpu.enqueue_dma source(%dma_start3A_71 : memref<640x128xf32, #tpu.memory_space<vmem_shared>>) target(%dma_start3A_69 : memref<640x128xf32, #tpu.memory_space<hbm>>) target_semaphore(%run_scoped3A : memref<!tpu.dma_semaphore, #tpu.memory_space<semaphore_mem>>)
      %dma_wait3A = arith.constant 0 : i32
      %dma_wait3A_72 = tpu.memref_slice %arg7[%arg0, %mul3A_62, %dma_wait3A] : memref<2x10240x128xf32, #tpu.memory_space<hbm>> -> memref<1x640x128xf32, #tpu.memory_space<hbm>>
      %dma_wait3A_73 = tpu.memref_squeeze %dma_wait3A_72 : memref<1x640x128xf32, #tpu.memory_space<hbm>> -> memref<640x128xf32, #tpu.memory_space<hbm>>
      %dma_wait3A_74 = arith.constant 0 : i32
      %dma_wait3A_75 = tpu.memref_slice %arg14[%mul3A_60, %dma_wait3A_74] : memref<10240x128xf32, #tpu.memory_space<vmem_shared>> -> memref<640x128xf32, #tpu.memory_space<vmem_shared>>
      tpu.wait_dma2 semaphore(%run_scoped3A : memref<!tpu.dma_semaphore, #tpu.memory_space<semaphore_mem>>) src(%dma_wait3A_75 : memref<640x128xf32, #tpu.memory_space<vmem_shared>>) dst(%dma_wait3A_73 : memref<640x128xf32, #tpu.memory_space<hbm>>)
      tpu.yield
    }) : () -> ()
    %mul3A_63 = arith.constant 640 : i32
    %mul3A_64 = arith.muli %arg1, %mul3A_63 : i32
    %mul3A_65 = arith.constant 640 : i32
    %mul3A_66 = arith.muli %arg1, %mul3A_65 : i32
    "tpu.region"() ({
      %run_scoped3A = tpu.sem_alloc : memref<!tpu.dma_semaphore, #tpu.memory_space<semaphore_mem>>
      %dma_start3A_67 = arith.constant 0 : i32
      %dma_start3A_68 = tpu.memref_slice %arg8[%arg0, %mul3A_66, %dma_start3A_67] : memref<2x10240x8xf32, #tpu.memory_space<hbm>> -> memref<1x640x8xf32, #tpu.memory_space<hbm>>
      %dma_start3A_69 = tpu.memref_squeeze %dma_start3A_68 : memref<1x640x8xf32, #tpu.memory_space<hbm>> -> memref<640x8xf32, #tpu.memory_space<hbm>>
      %dma_start3A_70 = arith.constant 0 : i32
      %dma_start3A_71 = tpu.memref_slice %arg15[%mul3A_64, %dma_start3A_70] : memref<10240x8xf32, #tpu.memory_space<vmem_shared>> -> memref<640x8xf32, #tpu.memory_space<vmem_shared>>
      tpu.enqueue_dma source(%dma_start3A_71 : memref<640x8xf32, #tpu.memory_space<vmem_shared>>) target(%dma_start3A_69 : memref<640x8xf32, #tpu.memory_space<hbm>>) target_semaphore(%run_scoped3A : memref<!tpu.dma_semaphore, #tpu.memory_space<semaphore_mem>>)
      %dma_wait3A = arith.constant 0 : i32
      %dma_wait3A_72 = tpu.memref_slice %arg8[%arg0, %mul3A_66, %dma_wait3A] : memref<2x10240x8xf32, #tpu.memory_space<hbm>> -> memref<1x640x8xf32, #tpu.memory_space<hbm>>
      %dma_wait3A_73 = tpu.memref_squeeze %dma_wait3A_72 : memref<1x640x8xf32, #tpu.memory_space<hbm>> -> memref<640x8xf32, #tpu.memory_space<hbm>>
      %dma_wait3A_74 = arith.constant 0 : i32
      %dma_wait3A_75 = tpu.memref_slice %arg15[%mul3A_64, %dma_wait3A_74] : memref<10240x8xf32, #tpu.memory_space<vmem_shared>> -> memref<640x8xf32, #tpu.memory_space<vmem_shared>>
      tpu.wait_dma2 semaphore(%run_scoped3A : memref<!tpu.dma_semaphore, #tpu.memory_space<semaphore_mem>>) src(%dma_wait3A_75 : memref<640x8xf32, #tpu.memory_space<vmem_shared>>) dst(%dma_wait3A_73 : memref<640x8xf32, #tpu.memory_space<hbm>>)
      tpu.yield
    }) : () -> ()
    return
  }
}

module attributes {stable_mosaic.version = 14 : i64} {
  func.func @_tc_finish_body(%arg0: i32, %arg1: memref<2x2000x128xf32, #tpu.memory_space<vmem>>, %arg2: memref<2x2000x8xf32, #tpu.memory_space<vmem>>, %arg3: memref<2000x128xf32, #tpu.memory_space<vmem>>, %arg4: memref<128x128xf32, #tpu.memory_space<vmem>>, %arg5: memref<1x128xf32, #tpu.memory_space<vmem>>, %arg6: memref<128x128xf32, #tpu.memory_space<vmem>>, %arg7: memref<2000x128xf32, #tpu.memory_space<vmem>>) attributes {dimension_semantics = [#tpu.dimension_semantics<arbitrary>], iteration_bounds = array<i64: 5>, scalar_prefetch = 0 : i64, scratch_operands = 0 : i64, tpu.core_type = #tpu.core_type<tc>, window_params = [{transform_indices = @transform_0, window_bounds = array<i64: 2, 2000, 128>}, {transform_indices = @transform_1, window_bounds = array<i64: 2, 2000, 8>}, {transform_indices = @transform_2, window_bounds = array<i64: 2000, 128>}, {pipeline_mode = #tpu.pipeline_mode<synchronous>, transform_indices = @transform_3, window_bounds = array<i64: 128, 128>}, {pipeline_mode = #tpu.pipeline_mode<synchronous>, transform_indices = @transform_4, window_bounds = array<i64: 1, 128>}, {pipeline_mode = #tpu.pipeline_mode<synchronous>, transform_indices = @transform_5, window_bounds = array<i64: 128, 128>}, {transform_indices = @transform_6, window_bounds = array<i64: 2000, 128>}]} {
    %get3A = arith.constant 0 : index
    %get3A_0 = arith.constant 0 : index
    %get3A_1 = arith.constant 0 : index
    %get3A_2 = vector.load %arg1[%get3A, %get3A_0, %get3A_1] : memref<2x2000x128xf32, #tpu.memory_space<vmem>>, vector<1x2000x128xf32>
    %get3A_3 = vector.shape_cast %get3A_2 : vector<1x2000x128xf32> to vector<2000x128xf32>
    %get3A_4 = arith.constant 1 : index
    %get3A_5 = arith.constant 0 : index
    %get3A_6 = arith.constant 0 : index
    %get3A_7 = vector.load %arg1[%get3A_4, %get3A_5, %get3A_6] : memref<2x2000x128xf32, #tpu.memory_space<vmem>>, vector<1x2000x128xf32>
    %get3A_8 = vector.shape_cast %get3A_7 : vector<1x2000x128xf32> to vector<2000x128xf32>
    %add3A = arith.addf %get3A_3, %get3A_8 : vector<2000x128xf32>
    %get3A_9 = arith.constant 0 : index
    %get3A_10 = arith.constant 0 : index
    %get3A_11 = arith.constant 0 : index
    %get3A_12 = vector.load %arg2[%get3A_9, %get3A_10, %get3A_11] : memref<2x2000x8xf32, #tpu.memory_space<vmem>>, vector<1x2000x8xf32>
    %get3A_13 = vector.shape_cast %get3A_12 : vector<1x2000x8xf32> to vector<2000x8xf32>
    %get3A_14 = arith.constant 1 : index
    %get3A_15 = arith.constant 0 : index
    %get3A_16 = arith.constant 0 : index
    %get3A_17 = vector.load %arg2[%get3A_14, %get3A_15, %get3A_16] : memref<2x2000x8xf32, #tpu.memory_space<vmem>>, vector<1x2000x8xf32>
    %get3A_18 = vector.shape_cast %get3A_17 : vector<1x2000x8xf32> to vector<2000x8xf32>
    %add3A_19 = arith.addf %get3A_13, %get3A_18 : vector<2000x8xf32>
    %reduce_sum3A = arith.constant dense<0.000000e+00> : vector<2000xf32>
    %reduce_sum3A_20 = vector.multi_reduction <add>, %add3A_19, %reduce_sum3A [1] : vector<2000x8xf32> to vector<2000xf32>
    %broadcast_in_dim3A = vector.shape_cast %reduce_sum3A_20 : vector<2000xf32> to vector<2000x1xf32>
    %max3A = arith.constant 1.000000e+00 : f32
    %max3A_21 = vector.broadcast %max3A : f32 to vector<2000x1xf32>
    %max3A_22 = arith.maximumf %broadcast_in_dim3A, %max3A_21 : vector<2000x1xf32>
    %div3A = vector.broadcast %max3A_22 : vector<2000x1xf32> to vector<2000x128xf32>
    %div3A_23 = arith.divf %add3A, %div3A : vector<2000x128xf32>
    %get3A_24 = arith.constant 0 : index
    %get3A_25 = arith.constant 0 : index
    %get3A_26 = vector.load %arg4[%get3A_24, %get3A_25] : memref<128x128xf32, #tpu.memory_space<vmem>>, vector<128x128xf32>
    %dot_general3A = arith.constant dense<0.000000e+00> : vector<2000x128xf32>
    %dot_general3A_27 = tpu.matmul %div3A_23, %get3A_26, %dot_general3A {dimension_numbers = #tpu.dot_dimension_numbers<[1], [1], [0], [0], [0, 0, 1, 0], [], []>, transpose_lhs_hint = false} : vector<2000x128xf32>, vector<128x128xf32>, vector<2000x128xf32> -> vector<2000x128xf32>
    %get3A_28 = arith.constant 0 : index
    %get3A_29 = arith.constant 0 : index
    %get3A_30 = vector.load %arg3[%get3A_28, %get3A_29] : memref<2000x128xf32, #tpu.memory_space<vmem>>, vector<2000x128xf32>
    %get3A_31 = arith.constant 0 : index
    %get3A_32 = arith.constant 0 : index
    %get3A_33 = vector.load %arg6[%get3A_31, %get3A_32] : memref<128x128xf32, #tpu.memory_space<vmem>>, vector<128x128xf32>
    %dot_general3A_34 = arith.constant dense<0.000000e+00> : vector<2000x128xf32>
    %dot_general3A_35 = tpu.matmul %get3A_30, %get3A_33, %dot_general3A_34 {dimension_numbers = #tpu.dot_dimension_numbers<[1], [1], [0], [0], [0, 0, 1, 0], [], []>, transpose_lhs_hint = false} : vector<2000x128xf32>, vector<128x128xf32>, vector<2000x128xf32> -> vector<2000x128xf32>
    %add3A_36 = arith.addf %dot_general3A_27, %dot_general3A_35 : vector<2000x128xf32>
    %get3A_37 = arith.constant 0 : index
    %get3A_38 = arith.constant 0 : index
    %get3A_39 = vector.load %arg5[%get3A_37, %get3A_38] : memref<1x128xf32, #tpu.memory_space<vmem>>, vector<1x128xf32>
    %add3A_40 = vector.broadcast %get3A_39 : vector<1x128xf32> to vector<2000x128xf32>
    %add3A_41 = arith.addf %add3A_36, %add3A_40 : vector<2000x128xf32>
    %mul3A = arith.mulf %add3A_41, %add3A_41 : vector<2000x128xf32>
    %reduce_sum3A_42 = arith.constant dense<0.000000e+00> : vector<2000xf32>
    %reduce_sum3A_43 = vector.multi_reduction <add>, %mul3A, %reduce_sum3A_42 [1] : vector<2000x128xf32> to vector<2000xf32>
    %broadcast_in_dim3A_44 = vector.shape_cast %reduce_sum3A_43 : vector<2000xf32> to vector<2000x1xf32>
    %sqrt3A = math.sqrt %broadcast_in_dim3A_44 : vector<2000x1xf32>
    %max3A_45 = arith.constant 9.99999996E-13 : f32
    %max3A_46 = vector.broadcast %max3A_45 : f32 to vector<2000x1xf32>
    %max3A_47 = arith.maximumf %sqrt3A, %max3A_46 : vector<2000x1xf32>
    %div3A_48 = vector.broadcast %max3A_47 : vector<2000x1xf32> to vector<2000x128xf32>
    %div3A_49 = arith.divf %add3A_41, %div3A_48 : vector<2000x128xf32>
    %swap3A = arith.constant 0 : index
    %swap3A_50 = arith.constant 0 : index
    %swap3A_51 = vector.load %arg7[%swap3A, %swap3A_50] : memref<2000x128xf32, #tpu.memory_space<vmem>>, vector<2000x128xf32>
    tpu.vector_store %arg7[%swap3A, %swap3A_50], %div3A_49 {strides = array<i32>} : memref<2000x128xf32, #tpu.memory_space<vmem>>, vector<2000x128xf32>,
    return
  }
  func.func @transform_0(%arg0: i32) -> (i32, i32, i32) {
    %c0_i32 = arith.constant 0 : i32
    %c0_i32_0 = arith.constant 0 : i32
    %c0_i32_1 = arith.constant 0 : i32
    return %c0_i32, %arg0, %c0_i32_0 : i32, i32, i32
  }
  func.func @transform_1(%arg0: i32) -> (i32, i32, i32) {
    %c0_i32 = arith.constant 0 : i32
    %c0_i32_0 = arith.constant 0 : i32
    %c0_i32_1 = arith.constant 0 : i32
    return %c0_i32, %arg0, %c0_i32_0 : i32, i32, i32
  }
  func.func @transform_2(%arg0: i32) -> (i32, i32) {
    %c0_i32 = arith.constant 0 : i32
    %c0_i32_0 = arith.constant 0 : i32
    return %arg0, %c0_i32 : i32, i32
  }
  func.func @transform_3(%arg0: i32) -> (i32, i32) {
    %c0_i32 = arith.constant 0 : i32
    %c0_i32_0 = arith.constant 0 : i32
    %c0_i32_1 = arith.constant 0 : i32
    return %c0_i32, %c0_i32_0 : i32, i32
  }
  func.func @transform_4(%arg0: i32) -> (i32, i32) {
    %c0_i32 = arith.constant 0 : i32
    %c0_i32_0 = arith.constant 0 : i32
    %c0_i32_1 = arith.constant 0 : i32
    return %c0_i32, %c0_i32_0 : i32, i32
  }
  func.func @transform_5(%arg0: i32) -> (i32, i32) {
    %c0_i32 = arith.constant 0 : i32
    %c0_i32_0 = arith.constant 0 : i32
    %c0_i32_1 = arith.constant 0 : i32
    return %c0_i32, %c0_i32_0 : i32, i32
  }
  func.func @transform_6(%arg0: i32) -> (i32, i32) {
    %c0_i32 = arith.constant 0 : i32
    %c0_i32_0 = arith.constant 0 : i32
    return %arg0, %c0_i32 : i32, i32
  }
}

</mosaic_0001>

<sc_bundles>
// kernel: kernel.4.cloned.1.call-start
scs
__scs_entry_jumppad:
0x0: {  	(pc) =	sbr.rel $0x88, $3  }
0x1: {  	(tag) =	ssettag $0x0;
	lr =	simm.s32 $0x1  }
0x2: {  	[smem:$0x3F9C] =	sst lr;
	_ =	strace $0xD0000000  }
0x3: {  	_ = 	snop  }
0x4: {  	_ = 	snop  }
0x5: {  	_ = 	snop  }
0x6: {  	_ = 	snop  }
0x7: {  	_ = 	snop  }
__scs_overlays_trampoline_lowered:
0x8: {  	[smem:$0x3FAB] =	sst s0  }
0x9: {  	[smem:$0x3FAC] =	sst s1  }
0xa: {  	[smem:$0x3FAD] =	sst s2  }
0xb: {  	[smem:$0x3FAE] =	sst s3  }
0xc: {  	[smem:$0x3FAF] =	sst s4  }
0xd: {  	[smem:$0x3FB0] =	sst s5  }
0xe: {  	[smem:$0x3FB1] =	sst s6  }
0xf: {  	[smem:$0x3FB2] =	sst s7  }
0x10: {  	[smem:$0x3FB3] =	sst s8  }
0x11: {  	[smem:$0x3FB4] =	sst s9;
	s0 =	simm.s32 @!p0 $0x0  }
0x12: {  	s1 =	sld [smem:$0x3F9A];
	s0 =	simm.s32 @p0 $0x1  }
0x13: {  	[smem:$0x3FB5] =	sst s0;
	s0 =	simm.s32 @!p1 $0x0  }
0x14: {  	s2 =	sld [smem:$0x3F99];
	s0 =	simm.s32 @p1 $0x1  }
0x15: {  	[smem:$0x3FB6] =	sst s0;
	s0 =	simm.s32 @!p2 $0x0  }
0x16: {  	s3 =	sld [smem:$0x3FDB];
	s0 =	simm.s32 @p2 $0x1  }
0x17: {  	s4 =	simm.s32 $0x1BF5;
	[smem:$0x3FB8] =	sst s0  }
0x18: {  	s0 =	sld [smem:$0x3F9B];
	_ =	swait.ge [sflag:s4], $0x0  }
0x19: {  	s7 =	sld [smem:$0x3F9C]  }
0x1a: {  	s8 =	sadd.s32 $0xFFFFE003, lr  }
0x1b: {  	s9 =	sadd.s32 $0xFFFFFEF7, lr;
	s5 =	simm.s32 $0xFFFFFFFF;
	p2 =	slt.u32 s8, $0xFFFFF086  }
0x1c: {  	p1 =	slt.u32 s9, $0xF7A;
	s5 =	simm.s32 @!p2 $0x0  }
0x1d: {  	s5 =	simm.s32 @p1 $0x1;
	p0 =	seq.s32 s7, s2  }
0x1e: {  	s7 =	smul.u32 @!p0 $0xF7A, s2;
	p2 =	seq.s32 @!p0 s5, $0x0  }
0x1f: {  	s9 =	smul.u32 $0xF7A, s1;
	s8 =	simm.s32 @!p0 $0x1BF5;
	p2 =	por !p2, p0  }
0x20: {  	[sflag:s8] =	ssyncset.s32 @!p0 $0xFFFFF086;
	s6 =	sadd.s32 @!p0 s3, s7;
	s7 =	simm.s32 @!p0 $0x108  }
0x21: {  	s3 =	sadd.s32 s3, s9;
	s6 =	sadd.s32 @!p0 $0x88, s6;
	s7 =	simm.s32 @p2 $0x1082  }
0x22: {  	[simem:s7], [sflag:s8] =	dma.local @!p0 [hbm:s6], $0xF7A  }
0x23: {  	s9 =	sor.u32 $0xD0000000, s2;
	s6 =	simm.s32 $0x108;
	_ =	swait.ge @!p0 [sflag:s8], $0x0  }
0x24: {  	s3 =	sadd.s32 $0x88, s3;
	s6 =	simm.s32 @!p1 $0x1082;
	[sflag:s4] =	ssyncset.s32 $0xFFFFF086  }
0x25: {  	[simem:s6], [sflag:s4] =	dma.local [hbm:s3], $0xF7A  }
0x26: {  	[smem:$0x3F9C] =	sst s1;
	(tag) =	ssettag s2;
	_ =	strace s9  }
0x27: {  	s1 =	sld [smem:$0x3FAC]  }
0x28: {  	s2 =	sld [smem:$0x3FAD]  }
0x29: {  	s4 =	sld [smem:$0x3FAF]  }
0x2a: {  	p0 =	seq.s32 s5, $0x0;
	s5 =	sld [smem:$0x3FB0]  }
0x2b: {  	s6 =	sld [smem:$0x3FB1]  }
0x2c: {  	s7 =	sld [smem:$0x3FB2]  }
0x2d: {  	s3 =	simm.s32 $0x108;
	s8 =	sld [smem:$0x3FB3]  }
0x2e: {  	s3 =	simm.s32 @!p0 $0x1082;
	s9 =	sld [smem:$0x3FB4]  }
0x2f: {  	lr =	sadd.s32 s0, s3;
	s0 =	sld [smem:$0x3FAB]  }
0x30: {  	s3 =	sld [smem:$0x3FAE]  }
0x31: {  	[smem:$0x3FB7] =	sst s10  }
0x32: {  	s10 =	sld [smem:$0x3FB5];
	_ =	sdelay $0x3  }
0x33: {  	p0 =	seq.s32 s10, $0x1;
	s10 =	sld [smem:$0x3FB7];
	_ =	sdelay $0x3  }
0x34: {  	[smem:$0x3FB7] =	sst s10  }
0x35: {  	s10 =	sld [smem:$0x3FB6];
	_ =	sdelay $0x3  }
0x36: {  	p1 =	seq.s32 s10, $0x1;
	s10 =	sld [smem:$0x3FB7];
	_ =	sdelay $0x3  }
0x37: {  	[smem:$0x3FB7] =	sst s10  }
0x38: {  	s10 =	sld [smem:$0x3FB8]  }
0x39: {  	_ = 	snop;
	(pc) =	sbr.ind lr, $3  }
0x3a: {  	_ = 	snop  }
0x3b: {  	_ = 	snop  }
0x3c: {  	p2 =	seq.s32 s10, $0x1;
	s10 =	sld [smem:$0x3FB7]  }
0x3d: {  	_ =	shalt  }
0x3e: {  	_ =	shalt  }
0x3f: {  	_ =	shalt  }
0x40: {  	_ =	shalt  }
0x41: {  	_ =	shalt  }
0x42: {  	_ =	shalt  }
0x43: {  	_ =	shalt  }
0x44: {  	_ =	shalt  }
0x45: {  	_ =	shalt  }
0x46: {  	_ =	shalt  }
0x47: {  	_ =	shalt  }
0x48: {  	_ =	shalt  }
0x49: {  	_ =	shalt  }
0x4a: {  	_ =	shalt  }
0x4b: {  	_ =	shalt  }
0x4c: {  	_ =	shalt  }
0x4d: {  	_ =	shalt  }
0x4e: {  	_ =	shalt  }
0x4f: {  	_ =	shalt  }
0x50: {  	_ =	shalt  }
0x51: {  	_ =	shalt  }
0x52: {  	_ =	shalt  }
0x53: {  	_ =	shalt  }
0x54: {  	_ =	shalt  }
0x55: {  	_ =	shalt  }
0x56: {  	_ =	shalt  }
0x57: {  	_ =	shalt  }
0x58: {  	_ =	shalt  }
0x59: {  	_ =	shalt  }
0x5a: {  	_ =	shalt  }
0x5b: {  	_ =	shalt  }
0x5c: {  	_ =	shalt  }
0x5d: {  	_ =	shalt  }
0x5e: {  	_ =	shalt  }
0x5f: {  	_ =	shalt  }
0x60: {  	_ =	shalt  }
0x61: {  	_ =	shalt  }
0x62: {  	_ =	shalt  }
0x63: {  	_ =	shalt  }
0x64: {  	_ =	shalt  }
0x65: {  	_ =	shalt  }
0x66: {  	_ =	shalt  }
0x67: {  	_ =	shalt  }
0x68: {  	_ =	shalt  }
0x69: {  	_ =	shalt  }
0x6a: {  	_ =	shalt  }
0x6b: {  	_ =	shalt  }
0x6c: {  	_ =	shalt  }
0x6d: {  	_ =	shalt  }
0x6e: {  	_ =	shalt  }
0x6f: {  	_ =	shalt  }
0x70: {  	_ =	shalt  }
0x71: {  	_ =	shalt  }
0x72: {  	_ =	shalt  }
0x73: {  	_ =	shalt  }
0x74: {  	_ =	shalt  }
0x75: {  	_ =	shalt  }
0x76: {  	_ =	shalt  }
0x77: {  	_ =	shalt  }
0x78: {  	_ =	shalt  }
0x79: {  	_ =	shalt  }
0x7a: {  	_ =	shalt  }
0x7b: {  	_ =	shalt  }
0x7c: {  	_ =	shalt  }
0x7d: {  	_ =	shalt  }
0x7e: {  	_ =	shalt  }
0x7f: {  	_ =	shalt  }
0x80: {  	_ =	shalt  }
0x81: {  	_ =	shalt  }
0x82: {  	_ =	shalt  }
0x83: {  	_ =	shalt  }
0x84: {  	_ =	shalt  }
0x85: {  	_ =	shalt  }
0x86: {  	_ =	shalt  }
0x87: {  	_ =	shalt  }
.Lfunc_end0:
.L_simem_size_0:
called_computation_lowered:
.L_overlay_start_0:
0x88: {  	s2 =	sld [smem:$0x3FD9]  }
0x89: {  	s3 =	sld [smem:$0x3FFE];
	_ =	sdelay $0x1  }
0x8a: {  	s1 =	srdreg.scid  }
0x8b: {  	s0 =	sand.u32 $0x1, s1  }
0x8c: {  	s17 =	sshll.u32 s0, $0xA;
	s2 =	sadd.s32 s3, s2  }
0x8d: {  	s2 =	sadd.s32 s2, s17  }
0x8e: {  	[smem:$0x3FC3] =	sst s2  }
0x8f: {  	_ = 	snop  }
0x90: {  	s2 =	sld [smem:$0x3FC9]  }
0x91: {  	s18 =	sld [smem:$0x3FD0];
	(tm) =	ssettm $0x1  }
0x92: {  	s4 =	sld [smem:$0x3FFB];
	_ =	sdelay $0x3  }
0x93: {  	_ =	strace s4  }
0x94: {  	s4 =	sld [smem:$0x3FFC];
	_ =	sdelay $0x3  }
0x95: {  	_ =	strace s4  }
0x96: {  	s4 =	sld [smem:$0x3FFD];
	_ =	sdelay $0x3  }
0x97: {  	_ =	strace s4  }
0x98: {  	_ =	strace $0x8FFFFFFF  }
0x99: {  	s19 =	sld [smem:$0x3FDB];
	_ =	sdelay $0x1  }
0x9a: {  	s5 =	simm.s32 $_scs_section_size  }
0x9b: {  	s6 =	simm.s32 $_size__tile_overlayer_lowered;
	s7 =	simm.s32 $_tile_overlayer_lowered  }
0x9c: {  	s22 =	simm.s32 $0x1BFF;
	s21 =	sshll.u32 s7, $0x1;
	s4 =	sadd.s32 s5, s19  }
0x9d: {  	s8 =	simm.s32 $0x0;
	s20 =	sshll.u32 s6, $0x1;
	s6 =	sadd.s32 s21, s4  }
0x9e: {  	[timem:s8], [sflag:s22] =	dma.local [hbm:s6], s20  }
0x9f: {  	_ =	swait.ge [sflag:s22], s20  }
0xa0: {  	s5 =	ssub.s32 $0x0, s20;
	[sflag:s22] =	ssyncset.done $0x0  }
0xa1: {  	[sflag:s22] =	ssyncadd.s32 s5;
	_ =	sdelay $0x1  }
0xa2: {  	s23 =	simm.s32 $0x1B8B  }
0xa3: {  	_ =	swait.ge [sflag:s23], $0x1  }
0xa4: {  	[sflag:s23] =	ssyncset.done $0x0  }
0xa5: {  	s25 =	simm.s32 $0x1B8E;
	s24 =	sld [smem:$0x3FFE];
	[sflag:s23] =	ssyncadd.s32 $0xFFFFFFFF  }
0xa6: {  	s26 =	simm.s32 $execute0_lowered;
	[smem:$0x3FD2] =	sst s25  }
0xa7: {  	s6 =	sshll.u32 s26, $0x1;
	_ =	strace $0x80000046;
	[dreg:$0x1] =	wrdreg $0xFFFFFFFF  }
0xa8: {  	s28 =	simm.s32 $_size_execute0_lowered;
	s4 =	sadd.s32 s4, s6;
	[dreg:$0x0] =	wrdreg $0x0  }
0xa9: {  	s6 =	sshll.u32 s28, $0x1;
	[dreg:$0x2] =	wrdreg s4  }
0xaa: {  	[dreg:$0x3] =	wrdreg s6  }
0xab: {  	[dreg:$0x4] =	wrdreg $0xC0  }
0xac: {  	_ =	task [dreg:s8], $0x5FFFF  }
0xad: {  	[dreg:$0x1] =	wrdreg $0xFFFFFFFF  }
0xae: {  	[dreg:$0x0] =	wrdreg $0x60  }
0xaf: {  	[dreg:$0x2] =	wrdreg s2  }
0xb0: {  	[dreg:$0x3] =	wrdreg s18  }
0xb1: {  	[dreg:$0x4] =	wrdreg s24  }
0xb2: {  	[dreg:$0x5] =	wrdreg $0xA2800  }
0xb3: {  	[dreg:$0x6] =	wrdreg $0x1E2800  }
0xb4: {  	[dreg:$0x7] =	wrdreg $0x9  }
0xb5: {  	_ =	task.clear_ibuf [dreg:s8], $0x8FFFF;
	_ =	strace $0x90000046  }
0xb6: {  	s29 =	simm.s32 $0x9;
	_ =	strace $0x80000048  }
0xb7: {  	_ =	swait.ge [sflag:s29], $0x1  }
0xb8: {  	[sflag:s29] =	ssyncadd.s32 $0xFFFFFFFF  }
0xb9: {  	_ =	strace $0x90000048  }
0xba: {  	_ =	sfence  }
0xbb: {  	s30 =	sld [smem:$0x0];
	_ =	sdelay $0x2  }
0xbc: {  	s31 =	sshll.u32 s1, $0xD;
	s1 =	sshrl.u32 s1, $0x2  }
0xbd: {  	s3 =	sand.u32 $0x4000, s31;
	s1 =	sadd.s32 s1, s30  }
0xbe: {  	s0 =	sor.u32 s3, s0;
	s1 =	sshll.u32 s1, $0x11  }
0xbf: {  	s0 =	sor.u32 s1, s0  }
0xc0: {  	s0 =	sadd.s32 $0x8F2B, s0  }
0xc1: {  	[sflag:s0] =	ssyncadd.remote.s32 $0x1  }
0xc2: {  	_ =	sfence.sel $0xFFFF  }
0xc3: {  	[dreg:$0x0] =	wrdreg $0xFFFFFFFF;
	(pc) =	sbr.abs _section_cstart, $3  }
0xc4: {  	[dreg:$0x1] =	wrdreg $0xFFFFFFFF  }
0xc5: {  	_ =	task.clear_ibuf [dreg:s8], $0x2FFFF;
	_ =	strace $0x9FFFFFFF  }
0xc6: {  	(tm) =	ssettm $0x7FFFFFFF  }
0xc7: {  	_ =	shalt  }
tec
execute0_lowered:
.L_overlay_start_1:
0x0: {  	(tag) =	ssettag $0x1  }
0x1: {  	s0 =	rddreg [dreg:$0x0]  }
0x2: {  	s2 =	rddreg [dreg:$0x1]  }
0x3: {  	s1 =	srdreg.scid;
	s5 =	rddreg [dreg:$0x2]  }
0x4: {  	s13 =	stileid.u32;
	s3 =	rddreg [dreg:$0x3]  }
0x5: {  	s8 =	simm.s32 $0x0;
	s28 =	simm.s32 $0x7800;
	s7 =	smul.u32 $0x1400, s13  }
0x6: {  	s29 =	simm.s32 $0x1;
	s30 =	simm.s32 $0x2;
	s26 =	smul.u32 $0x14000, s13  }
0x7: {  	s31 =	simm.s32 $0x0;
	s1 =	sand.u32 $0x1, s1;
	s16 =	smul.u32 $0x50000, s13  }
0x8: {  	[smem:$0x7FF] =	sst s8;
	s14 =	sadd.s32 $0xA00, s5;
	s9 =	smul.u32 $0x140000, s1  }
0x9: {  	s4 =	sshll.u32 s1, $0x4;
	s12 =	smul.u32 $0x14000, s1;
	s1 =	ssub.s32 $0x2, s1  }
0xa: {  	s6 =	sor.u32 s13, s4;
	s4 =	rddreg [dreg:$0x4];
	_ =	strace $0x80000047  }
0xb: {  	s11 =	sshrl.u32 s7, $0x3;
	[dreg:$0x6] =	wrdreg s14;
	s20 =	sshrl.u32 s1, $0x1  }
0xc: {  	s21 =	sshrl.u32 s16, $0x2;
	s6 =	smul.u32 $0x500, s6;
	s18 =	sadd.s32 s11, s5  }
0xd: {  	s9 =	sadd.s32 s26, s9;
	s15 =	sadd.s32 s7, s12;
	s1 =	ssub.s32 s1, s20  }
0xe: {  	s22 =	sadd.s32 s21, s3;
	s9 =	sshrl.u32 s9, $0x3;
	s17 =	sshrl.u32 s15, $0x3  }
0xf: {  	s24 =	sadd.s32 $0x2800, s22;
	s25 =	sadd.s32 $0x5000, s22;
	s13 =	sadd.s32 $0xA000, s22  }
0x10: {  	s14 =	sadd.s32 $0xC800, s22;
	s15 =	sadd.s32 $0xF000, s22;
	s16 =	sadd.s32 $0x11800, s22  }
0x11: {  	s18 =	sadd.s32 $0xAC00, s18;
	s21 =	smax.u32 s1, $0x1;
	s1 =	simm.s32 $0x4FB0  }
0x12: {  	s10 =	sadd.s32 s6, s5;
	s19 =	sadd.s32 s9, s5;
	s5 =	sadd.s32 s17, s5  }
0x13: {  	s2 =	sadd.s32 s2, s6;
	s9 =	sadd.s32 s26, s3;
	[dreg:$0x9] =	wrdreg s24  }
0x14: {  	[dreg:$0xa] =	wrdreg s25;
	s26 =	sadd.s32 $0x7800, s22;
	s17 =	sadd.s32 s7, s4  }
0x15: {  	s22 =	simm.s32 $0x4;
	s24 =	simm.s32 $0x5000;
	[dreg:$0x7] =	wrdreg s2  }
0x16: {  	s25 =	simm.s32 $0xA000;
	s23 =	sadd.s32 $0xC00, s10;
	[dreg:$0xb] =	wrdreg s26  }
0x17: {  	s19 =	sadd.s32 $0x12400, s19;
	s20 =	sadd.s32 $0xD400, s5;
	s26 =	simm.s32 $0x50  }
0x18: {  	v0 =	vimm.f32 $0.0e+00;
	s2 =	simm.s32 $0x4F60;
	[dreg:$0x8] =	wrdreg s23;
	s23 =	simm.s32 $0x3  }
.LBB2_1:
0x19: {  	s5 =	simm.s32 $0x0;
	s6 =	rddreg [dreg:$0x7]  }
0x1a: {  	[tilespmem:s5], [sflag:$0x4] =	stream.linear.gather [hbm4b:s6+s5], $0x2800, $0x38;
	[tilespmem:$0x1F680] =	vst v63  }
0x1b: {  	_ =	swait.ge [sflag:s22], $0x2800  }
0x1c: {  	[sflag:s22] =	ssyncset.done $0x0  }
0x1d: {  	s7 =	simm.s32 $0x2800;
	s12 =	rddreg [dreg:$0x8];
	[sflag:s22] =	ssyncadd.s32 $0xFFFFD800  }
0x1e: {  	[tilespmem:s7], [sflag:$0x4] =	stream.linear.gather [hbm4b:s12+s5], $0x2800, $0x38;
	[tilespmem:$0x1F680] =	vst v63  }
0x1f: {  	_ =	swait.ge [sflag:s22], $0x2800  }
0x20: {  	[sflag:s22] =	ssyncset.done $0x0  }
0x21: {  	s6 =	simm.s32 $0x200;
	s5 =	simm.s32 $0x0;
	[sflag:s22] =	ssyncadd.s32 $0xFFFFD800  }
.LBB2_2:
0x22: {  	p0 =	sne.s32 s6, $0x9E00;
	[tilespmem:s5+$0x5070] =	vst v0  }
0x23: {  	[tilespmem:s5+$0x5000] =	vst v0  }
0x24: {  	[tilespmem:s5+$0x5010] =	vst v0  }
.Ltmp0:
0x25: {  	[tilespmem:s5+$0x5020] =	vst v0;
	(pc) =	sbr.rel @p0 .LBB2_2-.Ltmp0, $4  }
0x26: {  	[tilespmem:s5+$0x5030] =	vst v0  }
0x27: {  	[tilespmem:s5+$0x5040] =	vst v0  }
0x28: {  	[tilespmem:s5+$0x5050] =	vst v0  }
0x29: {  	[tilespmem:s5+$0x5060] =	vst v0;
	s5 =	sshra.s32 s6, $0x2;
	s6 =	sadd.s32 $0x200, s6  }
0x2a: {  	[tilespmem:s5+$0x5070] =	vst v0  }
0x2b: {  	[tilespmem:s5+$0x5000] =	vst v0  }
0x2c: {  	[tilespmem:s5+$0x5010] =	vst v0  }
0x2d: {  	[tilespmem:s5+$0x5020] =	vst v0  }
0x2e: {  	[tilespmem:s5+$0x5030] =	vst v0  }
0x2f: {  	[tilespmem:s5+$0x5040] =	vst v0  }
0x30: {  	[tilespmem:s5+$0x5050] =	vst v0  }
0x31: {  	[tilespmem:s5+$0x5060] =	vst v0  }
0x32: {  	[spmem:s9] =	stream.linear.scatter [tilespmem:s24], [sflag:$0x4], $0x2800, $0x38;
	[tilespmem:$0x1F680] =	vst v63  }
0x33: {  	_ =	swait.ge [sflag:s22], $0x2800  }
0x34: {  	[sflag:s22] =	ssyncset.done $0x0  }
0x35: {  	s12 =	rddreg [dreg:$0x9];
	[sflag:s22] =	ssyncadd.s32 $0xFFFFD800  }
0x36: {  	[spmem:s12] =	stream.linear.scatter [tilespmem:s24], [sflag:$0x4], $0x2800, $0x38;
	[tilespmem:$0x1F680] =	vst v63  }
0x37: {  	_ =	swait.ge [sflag:s22], $0x2800  }
0x38: {  	[sflag:s22] =	ssyncset.done $0x0  }
0x39: {  	s6 =	rddreg [dreg:$0xa];
	[sflag:s22] =	ssyncadd.s32 $0xFFFFD800  }
0x3a: {  	[spmem:s6] =	stream.linear.scatter [tilespmem:s24], [sflag:$0x4], $0x2800, $0x38;
	[tilespmem:$0x1F680] =	vst v63  }
0x3b: {  	_ =	swait.ge [sflag:s22], $0x2800  }
0x3c: {  	[sflag:s22] =	ssyncset.done $0x0  }
0x3d: {  	s7 =	rddreg [dreg:$0xb];
	[sflag:s22] =	ssyncadd.s32 $0xFFFFD800  }
0x3e: {  	[spmem:s7] =	stream.linear.scatter [tilespmem:s24], [sflag:$0x4], $0x2800, $0x38;
	[tilespmem:$0x1F680] =	vst v63  }
0x3f: {  	_ =	swait.ge [sflag:s22], $0x2800  }
0x40: {  	[sflag:s22] =	ssyncset.done $0x0  }
0x41: {  	[sflag:s22] =	ssyncadd.s32 $0xFFFFD800  }
0x42: {  	[spmem:s13] =	stream.linear.scatter [tilespmem:s24], [sflag:$0x4], $0x2800, $0x38;
	[tilespmem:$0x1F680] =	vst v63  }
0x43: {  	_ =	swait.ge [sflag:s22], $0x2800  }
0x44: {  	[sflag:s22] =	ssyncset.done $0x0  }
0x45: {  	[sflag:s22] =	ssyncadd.s32 $0xFFFFD800  }
0x46: {  	[spmem:s14] =	stream.linear.scatter [tilespmem:s24], [sflag:$0x4], $0x2800, $0x38;
	[tilespmem:$0x1F680] =	vst v63  }
0x47: {  	_ =	swait.ge [sflag:s22], $0x2800  }
0x48: {  	[sflag:s22] =	ssyncset.done $0x0  }
0x49: {  	[sflag:s22] =	ssyncadd.s32 $0xFFFFD800  }
0x4a: {  	[spmem:s15] =	stream.linear.scatter [tilespmem:s24], [sflag:$0x4], $0x2800, $0x38;
	[tilespmem:$0x1F680] =	vst v63  }
0x4b: {  	_ =	swait.ge [sflag:s22], $0x2800  }
0x4c: {  	[sflag:s22] =	ssyncset.done $0x0  }
0x4d: {  	[sflag:s22] =	ssyncadd.s32 $0xFFFFD800  }
0x4e: {  	[spmem:s16] =	stream.linear.scatter [tilespmem:s24], [sflag:$0x4], $0x2800, $0x38;
	[tilespmem:$0x1F680] =	vst v63  }
0x4f: {  	s8 =	stileid.u32;
	_ =	swait.ge [sflag:s22], $0x2800  }
0x50: {  	s5 =	sshll.u32 s8, $0x6;
	[sflag:s22] =	ssyncset.done $0x0  }
0x51: {  	s5 =	sor.u32 $0x1C04, s5;
	s6 =	sshrl.u32 s17, $0x3;
	[sflag:s22] =	ssyncadd.s32 $0xFFFFD800  }
0x52: {  	[spmem:s6], [sflag:s5] =	dma.local [hbm:s18], $0x280  }
0x53: {  	_ =	swait.ge [sflag:s22], $0x280  }
0x54: {  	[sflag:s22] =	ssyncset.done $0x0  }
0x55: {  	s7 =	simm.s32 $0x0;
	s8 =	rddreg [dreg:$0x6];
	[sflag:s22] =	ssyncadd.s32 $0xFFFFFD80  }
0x56: {  	[tilespmem:s25], [sflag:$0x4] =	stream.linear.gather [hbm4b:s8+s7], $0x280, $0x38;
	[tilespmem:$0x1F680] =	vst v63  }
0x57: {  	_ =	swait.ge [sflag:s22], $0x280  }
0x58: {  	[sflag:s22] =	ssyncset.done $0x0  }
0x59: {  	[sflag:s22] =	ssyncadd.s32 $0xFFFFFD80  }
0x5a: {  	[bflag:$0x0] =	sbarrier.arrive $0xFFFF  }
0x5b: {  	[tilespmem:s24], [sflag:$0x1] =	stream.indirect.gather [hbm4b:s0+s26], $0x80, s7, s26, $0xb8;
	[tilespmem:$0x1F680] =	vst v63  }
0x5c: {  	s10 =	simm.s32 $0x50  }
0x5d: {  	[tilespmem:s28], [sflag:$0x2] =	stream.indirect.gather [hbm4b:s0+s26], $0x80, s10, s26, $0xb8;
	[tilespmem:$0x1F680] =	vst v63  }
0x5e: {  	_ =	swait.ge [sflag:s29], $0x2800  }
0x5f: {  	[sflag:s29] =	ssyncset.done $0x0  }
0x60: {  	s11 =	simm.s32 $0x2800;
	[sflag:s29] =	ssyncadd.s32 $0xFFFFD800  }
0x61: {  	[spmem:s3] =	stream.indirect.scatter.add.f32 [tilespmem:s24], [sflag:$0x4], $0x80, s11, s26, $0xb8;
	[tilespmem:$0x1F680] =	vst v63  }
0x62: {  	_ =	swait.ge [sflag:s22], $0x2800  }
0x63: {  	[sflag:s22] =	ssyncset.done $0x0  }
0x64: {  	[sflag:s22] =	ssyncadd.s32 $0xFFFFD800  }
0x65: {  	[spmem:s4] =	stream.indirect.scatter.add.f32 [tilespmem:s25], [sflag:$0x3], $0x8, s11, s26, $0xb8;
	[tilespmem:$0x1F680] =	vst v63  }
0x66: {  	s12 =	simm.s32 $0xA0  }
0x67: {  	[tilespmem:s24], [sflag:$0x1] =	stream.indirect.gather [hbm4b:s0+s26], $0x80, s12, s26, $0xb8;
	[tilespmem:$0x1F680] =	vst v63  }
0x68: {  	_ =	swait.ge [sflag:s30], $0x2800  }
0x69: {  	[sflag:s30] =	ssyncset.done $0x0  }
0x6a: {  	s8 =	simm.s32 $0x2850;
	[sflag:s30] =	ssyncadd.s32 $0xFFFFD800  }
0x6b: {  	[spmem:s3] =	stream.indirect.scatter.add.f32 [tilespmem:s28], [sflag:$0x4], $0x80, s8, s26, $0xb8;
	[tilespmem:$0x1F680] =	vst v63  }
0x6c: {  	_ =	swait.ge [sflag:s22], $0x2800  }
0x6d: {  	[sflag:s22] =	ssyncset.done $0x0  }
0x6e: {  	s7 =	simm.s32 $0xA0;
	s10 =	simm.s32 $0x500;
	[sflag:s22] =	ssyncadd.s32 $0xFFFFD800  }
.LBB2_4:
0x6f: {  	[spmem:s4] =	stream.indirect.scatter.add.f32 [tilespmem:s25], [sflag:$0x3], $0x8, s8, s26, $0xb8;
	[tilespmem:$0x1F680] =	vst v63  }
0x70: {  	s8 =	smov.u32 s10  }
0x71: {  	s12 =	sadd.s32 $0x280, s10;
	s11 =	sshra.s32 s8, $0x2;
	s8 =	sadd.s32 $0x50, s7  }
0x72: {  	[tilespmem:s28], [sflag:$0x2] =	stream.indirect.gather [hbm4b:s0+s26], $0x80, s8, s26, $0xb8;
	[tilespmem:$0x1F680] =	vst v63  }
0x73: {  	p0 =	sne.s32 s10, $0x9B00;
	_ =	swait.ge [sflag:s29], $0x2800  }
0x74: {  	[sflag:s29] =	ssyncset.done $0x0  }
0x75: {  	s8 =	sadd.s32 $0x2800, s7;
	[sflag:s29] =	ssyncadd.s32 $0xFFFFD800  }
0x76: {  	[spmem:s3] =	stream.indirect.scatter.add.f32 [tilespmem:s24], [sflag:$0x4], $0x80, s8, s26, $0xb8;
	[tilespmem:$0x1F680] =	vst v63  }
0x77: {  	_ =	swait.ge [sflag:s22], $0x2800  }
0x78: {  	[sflag:s22] =	ssyncset.done $0x0  }
0x79: {  	[sflag:s22] =	ssyncadd.s32 $0xFFFFD800  }
0x7a: {  	[spmem:s4] =	stream.indirect.scatter.add.f32 [tilespmem:s25], [sflag:$0x3], $0x8, s8, s26, $0xb8;
	[tilespmem:$0x1F680] =	vst v63  }
0x7b: {  	s8 =	sadd.s32 $0xA0, s7  }
0x7c: {  	[tilespmem:s24], [sflag:$0x1] =	stream.indirect.gather [hbm4b:s0+s26], $0x80, s8, s26, $0xb8;
	[tilespmem:$0x1F680] =	vst v63  }
0x7d: {  	_ =	swait.ge [sflag:s30], $0x2800  }
0x7e: {  	[sflag:s30] =	ssyncset.done $0x0  }
.Ltmp1:
0x7f: {  	s8 =	sadd.s32 $0x2850, s7;
	[sflag:s30] =	ssyncadd.s32 $0xFFFFD800;
	(pc) =	sbr.rel @p0 .LBB2_4-.Ltmp1, $4  }
0x80: {  	[spmem:s3] =	stream.indirect.scatter.add.f32 [tilespmem:s28], [sflag:$0x4], $0x80, s8, s26, $0xb8;
	[tilespmem:$0x1F680] =	vst v63  }
0x81: {  	s7 =	smov.u32 s11;
	_ =	swait.ge [sflag:s22], $0x2800  }
0x82: {  	[sflag:s22] =	ssyncset.done $0x0  }
0x83: {  	s10 =	smov.u32 s12;
	[sflag:s22] =	ssyncadd.s32 $0xFFFFD800  }
0x84: {  	[spmem:s4] =	stream.indirect.scatter.add.f32 [tilespmem:s25], [sflag:$0x3], $0x8, s8, s26, $0xb8;
	[tilespmem:$0x1F680] =	vst v63  }
0x85: {  	s11 =	sadd.s32 $0x50, s7  }
0x86: {  	[tilespmem:s28], [sflag:$0x2] =	stream.indirect.gather [hbm4b:s0+s26], $0x80, s11, s26, $0xb8;
	[tilespmem:$0x1F680] =	vst v63  }
0x87: {  	_ =	swait.ge [sflag:s29], $0x2800  }
0x88: {  	[sflag:s29] =	ssyncset.done $0x0  }
0x89: {  	s12 =	sadd.s32 $0x2800, s7;
	[sflag:s29] =	ssyncadd.s32 $0xFFFFD800  }
0x8a: {  	[spmem:s3] =	stream.indirect.scatter.add.f32 [tilespmem:s24], [sflag:$0x4], $0x80, s12, s26, $0xb8;
	[tilespmem:$0x1F680] =	vst v63  }
0x8b: {  	_ =	swait.ge [sflag:s22], $0x2800  }
0x8c: {  	[sflag:s22] =	ssyncset.done $0x0  }
0x8d: {  	[sflag:s22] =	ssyncadd.s32 $0xFFFFD800  }
0x8e: {  	[spmem:s4] =	stream.indirect.scatter.add.f32 [tilespmem:s25], [sflag:$0x3], $0x8, s12, s26, $0xb8;
	[tilespmem:$0x1F680] =	vst v63  }
0x8f: {  	s10 =	sadd.s32 $0xA0, s7  }
0x90: {  	[tilespmem:s24], [sflag:$0x1] =	stream.indirect.gather [hbm4b:s0+s26], $0x80, s10, s26, $0xb8;
	[tilespmem:$0x1F680] =	vst v63  }
0x91: {  	_ =	swait.ge [sflag:s30], $0x2800  }
0x92: {  	[sflag:s30] =	ssyncset.done $0x0  }
0x93: {  	s11 =	sadd.s32 $0x2850, s7;
	[sflag:s30] =	ssyncadd.s32 $0xFFFFD800  }
0x94: {  	[spmem:s3] =	stream.indirect.scatter.add.f32 [tilespmem:s28], [sflag:$0x4], $0x80, s11, s26, $0xb8;
	[tilespmem:$0x1F680] =	vst v63  }
0x95: {  	_ =	swait.ge [sflag:s22], $0x2800  }
0x96: {  	[sflag:s22] =	ssyncset.done $0x0  }
0x97: {  	[sflag:s22] =	ssyncadd.s32 $0xFFFFD800  }
0x98: {  	[spmem:s4] =	stream.indirect.scatter.add.f32 [tilespmem:s25], [sflag:$0x3], $0x8, s11, s26, $0xb8;
	[tilespmem:$0x1F680] =	vst v63  }
0x99: {  	s12 =	simm.s32 $0x27B0  }
0x9a: {  	[tilespmem:s28], [sflag:$0x2] =	stream.indirect.gather [hbm4b:s0+s26], $0x80, s12, s26, $0xb8;
	[tilespmem:$0x1F680] =	vst v63  }
0x9b: {  	_ =	swait.ge [sflag:s29], $0x2800  }
0x9c: {  	[sflag:s29] =	ssyncset.done $0x0  }
0x9d: {  	[sflag:s29] =	ssyncadd.s32 $0xFFFFD800  }
0x9e: {  	[spmem:s3] =	stream.indirect.scatter.add.f32 [tilespmem:s24], [sflag:$0x4], $0x80, s2, s26, $0xb8;
	[tilespmem:$0x1F680] =	vst v63  }
0x9f: {  	_ =	swait.ge [sflag:s22], $0x2800  }
0xa0: {  	[sflag:s22] =	ssyncset.done $0x0  }
0xa1: {  	[sflag:s22] =	ssyncadd.s32 $0xFFFFD800  }
0xa2: {  	[spmem:s4] =	stream.indirect.scatter.add.f32 [tilespmem:s25], [sflag:$0x3], $0x8, s2, s26, $0xb8;
	[tilespmem:$0x1F680] =	vst v63  }
0xa3: {  	_ =	swait.ge [sflag:s30], $0x2800  }
0xa4: {  	[sflag:s30] =	ssyncset.done $0x0  }
0xa5: {  	[sflag:s30] =	ssyncadd.s32 $0xFFFFD800  }
0xa6: {  	[spmem:s3] =	stream.indirect.scatter.add.f32 [tilespmem:s28], [sflag:$0x4], $0x80, s1, s26, $0xb8;
	[tilespmem:$0x1F680] =	vst v63  }
0xa7: {  	_ =	swait.ge [sflag:s22], $0x2800  }
0xa8: {  	[sflag:s22] =	ssyncset.done $0x0  }
0xa9: {  	[sflag:s22] =	ssyncadd.s32 $0xFFFFD800  }
0xaa: {  	[spmem:s4] =	stream.indirect.scatter.add.f32 [tilespmem:s25], [sflag:$0x3], $0x8, s1, s26, $0xb8;
	[tilespmem:$0x1F680] =	vst v63  }
0xab: {  	_ =	swait.ge [sflag:s23], $0x280  }
0xac: {  	s7 =	simm.s32 $0x7F;
	[sflag:s23] =	ssyncset.done $0x0  }
.LBB2_6:
0xad: {  	p0 =	sne.s32 s7, $0x1;
	s7 =	sadd.s32 $0xFFFFFFFF, s7;
	[sflag:s23] =	ssyncadd.s32 $0xFFFFFD80  }
.Ltmp2:
0xae: {  	(pc) =	sbr.rel @p0 .LBB2_6-.Ltmp2, $3  }
0xaf: {  	_ =	sdelay $0x1  }
0xb0: {  	_ =	swait.ge [sflag:s23], $0x280  }
0xb1: {  	[sflag:s23] =	ssyncset.done $0x0  }
0xb2: {  	[sflag:s23] =	ssyncadd.s32 $0xFFFFFD80  }
0xb3: {  	s7 =	sshrl.u32 s9, $0x3;
	[bflag:$0x0] =	sbarrier.arrive $0xFFFF  }
0xb4: {  	[hbm:s19], [sflag:s5] =	dma.local [spmem:s7], $0x2800  }
0xb5: {  	s31 =	sadd.s32 $0x1, s31;
	_ =	swait.ge [sflag:s22], $0x2800  }
0xb6: {  	p0 =	sne.s32 s31, s21;
	[sflag:s22] =	ssyncset.done $0x0  }
.Ltmp3:
0xb7: {  	[sflag:s22] =	ssyncadd.s32 $0xFFFFD800;
	(pc) =	sbr.rel @p0 .LBB2_1-.Ltmp3, $4  }
0xb8: {  	[hbm:s20], [sflag:s5] =	dma.local [spmem:s6], $0x280  }
0xb9: {  	_ =	swait.ge [sflag:s22], $0x280  }
0xba: {  	[sflag:s22] =	ssyncset.done $0x0  }
0xbb: {  	[sflag:s22] =	ssyncadd.s32 $0xFFFFFD80  }
0xbc: {  	_ =	sfence.sel $0x180000  }
0xbd: {  	[bflag:$0x0] =	sbarrier.arrive $0xFFFF  }
0xbe: {  	_ =	strace $0x90000047  }
0xbf: {  	s0 =	stileid.u32;
	[bflag:$0x2] =	sbarrier.arrive $0xFFFF  }
0xc0: {  	p0 =	sne.s32 s0, $0x0;
	s0 =	rddreg [dreg:$0x5]  }
0xc1: {  	s0 =	sadd.s32 @!p0 $0x100000, s0  }
0xc2: {  	[sflag:s0] =	ssyncadd.tile.s32 @!p0 $0x1;
	_ =	shalt  }
.Lfunc_end2:
_tile_overlayer_lowered:
.L_overlay_start_2:
0xc3: {  	(tag) =	ssettag $0x2  }
0xc4: {  	s0 =	rddreg [dreg:$0x0];
	s2 =	stileid.u32  }
0xc5: {  	s1 =	rddreg [dreg:$0x1];
	p0 =	sne.s32 s2, $0x0  }
0xc6: {  	s3 =	rddreg [dreg:$0x2];
	[bflag:$0x3] =	sbarrier.arrive $0xFFFF;
	s2 =	simm.s32 @!p0 $0x1C04  }
0xc7: {  	[timem:s3], [sflag:s2] =	dma.local @!p0 [hbm:s0], s1  }
0xc8: {  	s0 =	simm.s32 @!p0 $0x4  }
0xc9: {  	_ =	swait.ge @!p0 [sflag:s0], s1  }
0xca: {  	s1 =	ssub.s32 @!p0 $0x0, s1;
	[sflag:s0] =	ssyncset.done @!p0 $0x0  }
0xcb: {  	[sflag:s0] =	ssyncadd.s32 @!p0 s1  }
0xcc: {  	[bflag:$0x3] =	sbarrier.arrive $0xFFFF  }
0xcd: {  	_ =	shalt  }

</sc_bundles>
